<compile_context>
chip_gen: v7x
topology: tpu7x:2x2x1
jax: 0.10.2.dev20260603
libtpu: 0.0.44.dev20260713+nightly
codegen_flags: <defaults>
</compile_context>

<pallas_src>
import functools

import jax
import jax.numpy as jnp
from jax import lax
from jax.experimental import pallas as pl
from jax.experimental.pallas import tpu as pltpu
from jax.experimental.pallas import tpu_sc as plsc

NC = 2
NS = 16
NW = NC * NS
HB = 4096


def _build(A, V, D, B):
    R = A * D
    assert R % NW == 0
    rpw = R // NW
    assert D == NW
    nh = B // HB
    assert B % HB == 0

    mesh = plsc.VectorSubcoreMesh(
        core_axis_name="c", subcore_axis_name="s",
        num_cores=NC, num_subcores=NS)

    @functools.partial(
        pl.kernel,
        out_type=[
            jax.ShapeDtypeStruct((R, B), jnp.float32),
            jax.ShapeDtypeStruct((D, B), jnp.float32),
        ],
        mesh=mesh,
        compiler_params=pltpu.CompilerParams(
            use_tc_tiling_on_sc=True, needs_layout_passes=False),
        scratch_types=[
            pltpu.VMEM((V,), jnp.float32),
            pltpu.VMEM((B,), jnp.int32),
            pltpu.VMEM((2, HB), jnp.float32),
            pltpu.VMEM((16,), jnp.int32),
            pltpu.SemaphoreType.DMA,
            pltpu.SemaphoreType.DMA,
        ],
    )
    def lookup(mt_hbm, ma_hbm, tab_hbm, mi_hbm, out_t_hbm, out_a_hbm,
               row_v, idx_v, val_v, mi_v, sem_o0, sem_o1):
        wid = lax.axis_index("s") * NC + lax.axis_index("c")

        def out_copy(out_ref, orow, h, vb):
            return pltpu.make_async_copy(
                val_v.at[vb], out_ref.at[orow, pl.ds(h * HB, HB)],
                sem_o0 if vb == 0 else sem_o1)

        def process_row(out_ref, orow):
            for h in range(nh):
                vb = h % 2
                if h >= 2:
                    out_copy(out_ref, orow, h - 2, vb).wait()

                @plsc.parallel_loop(0, HB // 32, unroll=8)
                def g(i):
                    s0 = pl.ds(h * HB + i * 32, 16)
                    s1 = pl.ds(h * HB + i * 32 + 16, 16)
                    val_v[vb, pl.ds(i * 32, 16)] = plsc.load_gather(
                        row_v, [idx_v[s0]])
                    val_v[vb, pl.ds(i * 32 + 16, 16)] = plsc.load_gather(
                        row_v, [idx_v[s1]])
                out_copy(out_ref, orow, h, vb).start()
            out_copy(out_ref, orow, nh - 2, (nh - 2) % 2).wait()
            out_copy(out_ref, orow, nh - 1, (nh - 1) % 2).wait()

        def row_task(j, _):
            r = wid * rpw + j
            a = r // D
            @pl.when(jnp.logical_or(j == 0, r % D == 0))
            def _():
                pltpu.sync_copy(mt_hbm.at[a], idx_v)
            pltpu.sync_copy(tab_hbm.at[a, r % D], row_v)
            process_row(out_t_hbm, r)
            return 0
        lax.fori_loop(0, rpw, row_task, 0)

        pltpu.sync_copy(mi_hbm, mi_v)
        pltpu.sync_copy(ma_hbm, idx_v)
        mi = mi_v[pl.ds(0, 16)][0]
        pltpu.sync_copy(tab_hbm.at[mi, wid], row_v)
        process_row(out_a_hbm, wid)

    return lookup


def kernel(mask_tuple, mask_idx, mask_attrs, tables):
    B, A = mask_tuple.shape
    _, V, D = tables.shape
    lookup = _build(A, V, D, B)

    tab = tables.transpose(0, 2, 1)
    mi = jnp.full((16,), mask_idx, dtype=jnp.int32)
    mt = mask_tuple.T
    out_t, out_a = lookup(mt, mask_attrs, tab, mi)
    return out_t.T, out_a.T

# --- scband reference (transcript-rebuilt; emitter-appended) ---
"""Pipeline reference for scband-look-up-model-40690520162567 (READ-ONLY COPY).

The authoritative reference and input builder live on the scoring server;
editing this copy changes nothing except your own understanding.
"""

import jax, jax.numpy as jnp
import numpy as np

NUM_ATTRS = 26
VOCAB = 100000
EMBED_DIM = 32
BATCH = 16384


def setup_inputs(seed: int = 0) -> dict:
    key = jax.random.key(seed)
    k1, k2, k3 = jax.random.split(key, 3)
    # inputs[0]: mask_tuple, one categorical id per attribute column
    mask_tuple = jax.random.randint(k1, (BATCH, NUM_ATTRS), 0, VOCAB, dtype=jnp.int32)
    # inputs[1][0]: mask_idx, the masked attribute index (python int, non-tensor)
    mask_idx = 3
    # inputs[2]: mask_attrs, example ids looked up in the masked attribute's table
    mask_attrs = jax.random.randint(k2, (BATCH,), 0, VOCAB, dtype=jnp.int32)
    # learned parameter: one embedding table per attribute, stacked [A, V, D]
    tables = jax.random.normal(k3, (NUM_ATTRS, VOCAB, EMBED_DIM), dtype=jnp.float32) * 0.02
    return {"mask_tuple": mask_tuple, "mask_idx": mask_idx, "mask_attrs": mask_attrs, "tables": tables}


def reference(mask_tuple, mask_idx, mask_attrs, tables):
    # attr_embeds: lookup example ids in the masked attribute's table
    attr_embeds = jnp.take(tables[mask_idx], mask_attrs, axis=0)  # [B, D]
    # tuple_embed: for each attribute idx, gather tables[idx][mask_tuple[:, idx]]
    # then concatenate along dim=1 (faithful to the torch loop + torch.cat)
    per_attr = jax.vmap(lambda t, idx: jnp.take(t, idx, axis=0), in_axes=(0, 1))(tables, mask_tuple)  # [A, B, D]
    tuple_embed = jnp.transpose(per_attr, (1, 0, 2)).reshape(mask_tuple.shape[0], NUM_ATTRS * EMBED_DIM)  # [B, A*D]
    return (tuple_embed, attr_embeds)

if __name__ == "__main__":
    import jax
    _d = setup_inputs()
    print(jax.jit(kernel)(*tuple(_d.values())))

</pallas_src>

<mosaic_0001>
#map = affine_map<(d0, d1) -> (0, 0)>
#map1 = affine_map<(d0, d1) -> (0)>
#map2 = affine_map<(d0, d1) -> (0, 0, 0)>
module attributes {stable_mosaic.version = 14 : i64} {
  func.func @lookup(%arg0: i32, %arg1: i32, %arg2: memref<26x16384xi32, #tpu.memory_space<hbm>>, %arg3: memref<16384xi32, #tpu.memory_space<hbm>>, %arg4: memref<26x32x100000xf32, #tpu.memory_space<hbm>>, %arg5: memref<16xi32, #tpu.memory_space<hbm>>, %arg6: memref<832x16384xf32, #tpu.memory_space<hbm>>, %arg7: memref<32x16384xf32, #tpu.memory_space<hbm>>, %arg8: memref<100000xf32, #tpu.memory_space<vmem>>, %arg9: memref<16384xi32, #tpu.memory_space<vmem>>, %arg10: memref<2x4096xf32, #tpu.memory_space<vmem>>, %arg11: memref<16xi32, #tpu.memory_space<vmem>>, %arg12: memref<!tpu.dma_semaphore, #tpu.memory_space<semaphore_mem>>, %arg13: memref<!tpu.dma_semaphore, #tpu.memory_space<semaphore_mem>>) attributes {dimension_semantics = [#tpu.dimension_semantics<core_parallel>, #tpu.dimension_semantics<subcore_parallel>], iteration_bounds = array<i64: 2, 16>, scalar_prefetch = 0 : i64, scratch_operands = 6 : i64, tpu.core_type = #tpu.core_type<sc_vector_subcore>, window_params = [{transform_indices = #map}, {transform_indices = #map1}, {transform_indices = #map2}, {transform_indices = #map1}, {transform_indices = #map}, {transform_indices = #map}]} {
    %mul3A = arith.constant 2 : i32
    %mul3A_0 = arith.muli %arg1, %mul3A : i32
    %add3A = arith.addi %mul3A_0, %arg0 : i32
    %scan3A = arith.constant 0 : i32
    %scan3A_1 = arith.constant 0 : i32
    %scan3A_2 = arith.constant 26 : i32
    %scan3A_3 = arith.addi %scan3A_1, %scan3A_2 : i32
    %scan3A_4 = arith.constant 1 : i32
    %scan3A_5 = scf.for %scan3A_121 = %scan3A_1 to %scan3A_3 step %scan3A_4 iter_args(%scan3A_122 = %scan3A) -> (i32)  : i32 {
      %mul3A_123 = arith.constant 26 : i32
      %mul3A_124 = arith.muli %add3A, %mul3A_123 : i32
      %add3A_125 = arith.addi %mul3A_124, %scan3A_121 : i32
      %jit3A = arith.constant 32 : i32
      %div3A = arith.divsi %add3A_125, %jit3A : i32
      %sign3A = arith.constant 0 : i32
      %sign3A_126 = arith.cmpi sgt, %add3A_125, %sign3A : i32
      %sign3A_127 = arith.extui %sign3A_126 : i1 to i32
      %sign3A_128 = arith.constant 0 : i32
      %sign3A_129 = arith.cmpi slt, %add3A_125, %sign3A_128 : i32
      %sign3A_130 = arith.extui %sign3A_129 : i1 to i32
      %sign3A_131 = arith.subi %sign3A_127, %sign3A_130 : i32
      %sign3A_132 = arith.constant 0 : i32
      %sign3A_133 = arith.cmpi sgt, %jit3A, %sign3A_132 : i32
      %sign3A_134 = arith.extui %sign3A_133 : i1 to i32
      %sign3A_135 = arith.constant 0 : i32
      %sign3A_136 = arith.cmpi slt, %jit3A, %sign3A_135 : i32
      %sign3A_137 = arith.extui %sign3A_136 : i1 to i32
      %sign3A_138 = arith.subi %sign3A_134, %sign3A_137 : i32
      %ne3A = arith.cmpi ne, %sign3A_131, %sign3A_138 : i32
      %rem3A = arith.remsi %add3A_125, %jit3A : i32
      %ne3A_139 = arith.constant 0 : i32
      %ne3A_140 = arith.cmpi ne, %rem3A, %ne3A_139 : i32
      %and3A = arith.andi %ne3A, %ne3A_140 : i1
      %sub3A = arith.constant 1 : i32
      %sub3A_141 = arith.subi %div3A, %sub3A : i32
      %select_n3A = arith.select %and3A, %sub3A_141, %div3A : i32
      %eq3A = arith.constant 0 : i32
      %eq3A_142 = arith.cmpi eq, %scan3A_121, %eq3A : i32
      %jit3A_143 = arith.constant 32 : i32
      %eq3A_144 = arith.constant 0 : i32
      %eq3A_145 = arith.cmpi eq, %jit3A_143, %eq3A_144 : i32
      %jit3A_146 = arith.constant 1 : i32
      %select_n3A_147 = arith.select %eq3A_145, %jit3A_146, %jit3A_143 : i32
      %rem3A_148 = arith.remsi %add3A_125, %select_n3A_147 : i32
      %ne3A_149 = arith.constant 0 : i32
      %ne3A_150 = arith.cmpi ne, %rem3A_148, %ne3A_149 : i32
      %lt3A = arith.constant 0 : i32
      %lt3A_151 = arith.cmpi slt, %rem3A_148, %lt3A : i32
      %lt3A_152 = arith.constant 0 : i32
      %lt3A_153 = arith.cmpi slt, %select_n3A_147, %lt3A_152 : i32
      %ne3A_154 = arith.xori %lt3A_151, %lt3A_153 : i1
      %and3A_155 = arith.andi %ne3A_154, %ne3A_150 : i1
      %add3A_156 = arith.addi %rem3A_148, %select_n3A_147 : i32
      %select_n3A_157 = arith.select %and3A_155, %add3A_156, %rem3A_148 : i32
      %eq3A_158 = arith.constant 0 : i32
      %eq3A_159 = arith.cmpi eq, %select_n3A_157, %eq3A_158 : i32
      %or3A = arith.ori %eq3A_142, %eq3A_159 : i1
      %convert_element_type3A = arith.extui %or3A : i1 to i32
      %cond3A = arith.constant 0 : i32
      %cond3A_160 = arith.cmpi ne, %convert_element_type3A, %cond3A : i32
      scf.if %cond3A_160 {
        "tpu.region"() ({
          %run_scoped3A = tpu.sem_alloc : memref<!tpu.dma_semaphore, #tpu.memory_space<semaphore_mem>>
          %dma_start3A_294 = arith.constant 0 : i32
          %dma_start3A_295 = tpu.memref_slice %arg2[%select_n3A, %dma_start3A_294] : memref<26x16384xi32, #tpu.memory_space<hbm>> -> memref<1x16384xi32, #tpu.memory_space<hbm>>
          %dma_start3A_296 = tpu.memref_squeeze %dma_start3A_295 : memref<1x16384xi32, #tpu.memory_space<hbm>> -> memref<16384xi32, #tpu.memory_space<hbm>>
          %dma_start3A_297 = arith.constant 0 : i32
          %dma_start3A_298 = tpu.memref_slice %arg2[%select_n3A, %dma_start3A_297] : memref<26x16384xi32, #tpu.memory_space<hbm>> -> memref<1x16384xi32, #tpu.memory_space<hbm>>
          %dma_start3A_299 = tpu.memref_squeeze %dma_start3A_298 : memref<1x16384xi32, #tpu.memory_space<hbm>> -> memref<16384xi32, #tpu.memory_space<hbm>>
          tpu.enqueue_dma source(%dma_start3A_299 : memref<16384xi32, #tpu.memory_space<hbm>>) target(%arg9 : memref<16384xi32, #tpu.memory_space<vmem>>) target_semaphore(%run_scoped3A : memref<!tpu.dma_semaphore, #tpu.memory_space<semaphore_mem>>)
          %dma_wait3A_300 = arith.constant 0 : i32
          %dma_wait3A_301 = tpu.memref_slice %arg2[%select_n3A, %dma_wait3A_300] : memref<26x16384xi32, #tpu.memory_space<hbm>> -> memref<1x16384xi32, #tpu.memory_space<hbm>>
          %dma_wait3A_302 = tpu.memref_squeeze %dma_wait3A_301 : memref<1x16384xi32, #tpu.memory_space<hbm>> -> memref<16384xi32, #tpu.memory_space<hbm>>
          %dma_wait3A_303 = arith.constant 0 : i32
          %dma_wait3A_304 = tpu.memref_slice %arg2[%select_n3A, %dma_wait3A_303] : memref<26x16384xi32, #tpu.memory_space<hbm>> -> memref<1x16384xi32, #tpu.memory_space<hbm>>
          %dma_wait3A_305 = tpu.memref_squeeze %dma_wait3A_304 : memref<1x16384xi32, #tpu.memory_space<hbm>> -> memref<16384xi32, #tpu.memory_space<hbm>>
          tpu.wait_dma2 semaphore(%run_scoped3A : memref<!tpu.dma_semaphore, #tpu.memory_space<semaphore_mem>>) src(%dma_wait3A_305 : memref<16384xi32, #tpu.memory_space<hbm>>) dst(%arg9 : memref<16384xi32, #tpu.memory_space<vmem>>)
          tpu.yield
        }) : () -> ()
      } else {
      }
      %jit3A_161 = arith.constant 32 : i32
      %eq3A_162 = arith.constant 0 : i32
      %eq3A_163 = arith.cmpi eq, %jit3A_161, %eq3A_162 : i32
      %jit3A_164 = arith.constant 1 : i32
      %select_n3A_165 = arith.select %eq3A_163, %jit3A_164, %jit3A_161 : i32
      %rem3A_166 = arith.remsi %add3A_125, %select_n3A_165 : i32
      %ne3A_167 = arith.constant 0 : i32
      %ne3A_168 = arith.cmpi ne, %rem3A_166, %ne3A_167 : i32
      %lt3A_169 = arith.constant 0 : i32
      %lt3A_170 = arith.cmpi slt, %rem3A_166, %lt3A_169 : i32
      %lt3A_171 = arith.constant 0 : i32
      %lt3A_172 = arith.cmpi slt, %select_n3A_165, %lt3A_171 : i32
      %ne3A_173 = arith.xori %lt3A_170, %lt3A_172 : i1
      %and3A_174 = arith.andi %ne3A_173, %ne3A_168 : i1
      %add3A_175 = arith.addi %rem3A_166, %select_n3A_165 : i32
      %select_n3A_176 = arith.select %and3A_174, %add3A_175, %rem3A_166 : i32
      "tpu.region"() ({
        %run_scoped3A = tpu.sem_alloc : memref<!tpu.dma_semaphore, #tpu.memory_space<semaphore_mem>>
        %dma_start3A_294 = arith.constant 0 : i32
        %dma_start3A_295 = tpu.memref_slice %arg4[%select_n3A, %select_n3A_176, %dma_start3A_294] : memref<26x32x100000xf32, #tpu.memory_space<hbm>> -> memref<1x1x100000xf32, #tpu.memory_space<hbm>>
        %dma_start3A_296 = tpu.memref_squeeze %dma_start3A_295 : memref<1x1x100000xf32, #tpu.memory_space<hbm>> -> memref<100000xf32, #tpu.memory_space<hbm>>
        %dma_start3A_297 = arith.constant 0 : i32
        %dma_start3A_298 = tpu.memref_slice %arg4[%select_n3A, %select_n3A_176, %dma_start3A_297] : memref<26x32x100000xf32, #tpu.memory_space<hbm>> -> memref<1x1x100000xf32, #tpu.memory_space<hbm>>
        %dma_start3A_299 = tpu.memref_squeeze %dma_start3A_298 : memref<1x1x100000xf32, #tpu.memory_space<hbm>> -> memref<100000xf32, #tpu.memory_space<hbm>>
        tpu.enqueue_dma source(%dma_start3A_299 : memref<100000xf32, #tpu.memory_space<hbm>>) target(%arg8 : memref<100000xf32, #tpu.memory_space<vmem>>) target_semaphore(%run_scoped3A : memref<!tpu.dma_semaphore, #tpu.memory_space<semaphore_mem>>)
        %dma_wait3A_300 = arith.constant 0 : i32
        %dma_wait3A_301 = tpu.memref_slice %arg4[%select_n3A, %select_n3A_176, %dma_wait3A_300] : memref<26x32x100000xf32, #tpu.memory_space<hbm>> -> memref<1x1x100000xf32, #tpu.memory_space<hbm>>
        %dma_wait3A_302 = tpu.memref_squeeze %dma_wait3A_301 : memref<1x1x100000xf32, #tpu.memory_space<hbm>> -> memref<100000xf32, #tpu.memory_space<hbm>>
        %dma_wait3A_303 = arith.constant 0 : i32
        %dma_wait3A_304 = tpu.memref_slice %arg4[%select_n3A, %select_n3A_176, %dma_wait3A_303] : memref<26x32x100000xf32, #tpu.memory_space<hbm>> -> memref<1x1x100000xf32, #tpu.memory_space<hbm>>
        %dma_wait3A_305 = tpu.memref_squeeze %dma_wait3A_304 : memref<1x1x100000xf32, #tpu.memory_space<hbm>> -> memref<100000xf32, #tpu.memory_space<hbm>>
        tpu.wait_dma2 semaphore(%run_scoped3A : memref<!tpu.dma_semaphore, #tpu.memory_space<semaphore_mem>>) src(%dma_wait3A_305 : memref<100000xf32, #tpu.memory_space<hbm>>) dst(%arg8 : memref<100000xf32, #tpu.memory_space<vmem>>)
        tpu.yield
      }) : () -> ()
      %parallel_loop3A_177 = arith.constant 0 : i32
      %parallel_loop3A_178 = arith.constant 128 : i32
      %parallel_loop3A_179 = arith.constant 1 : i32
      scf.for %parallel_loop3A_294 = %parallel_loop3A_177 to %parallel_loop3A_178 step %parallel_loop3A_179  : i32 {
        %parallel_loop3A_295 = arith.constant 32 : i32
        %parallel_loop3A_296 = arith.muli %parallel_loop3A_294, %parallel_loop3A_295 : i32
        %parallel_loop3A_297 = arith.constant 0 : i32
        %parallel_loop3A_298 = arith.addi %parallel_loop3A_297, %parallel_loop3A_296 : i32
        %parallel_loop3A_299 = arith.constant 32 : i32
        %parallel_loop3A_300 = arith.muli %parallel_loop3A_294, %parallel_loop3A_299 : i32
        %parallel_loop3A_301 = arith.constant 0 : i32
        %parallel_loop3A_302 = arith.addi %parallel_loop3A_301, %parallel_loop3A_300 : i32
        %parallel_loop3A_303 = arith.constant 16 : i32
        %parallel_loop3A_304 = arith.addi %parallel_loop3A_302, %parallel_loop3A_303 : i32
        %parallel_loop3A_305 = arith.index_cast %parallel_loop3A_298 : i32 to index
        %parallel_loop3A_306 = tpu.vector_load %arg9[%parallel_loop3A_305] {strides = array<i32>} : memref<16384xi32, #tpu.memory_space<vmem>>, vector<16xi32>,
        %parallel_loop3A_307 = tpu.vector_load_idx %arg8[%parallel_loop3A_306] : memref<100000xf32, #tpu.memory_space<vmem>>[vector<16xi32>], vector<16xf32>,
        %parallel_loop3A_308 = arith.constant 32 : i32
        %parallel_loop3A_309 = arith.muli %parallel_loop3A_294, %parallel_loop3A_308 : i32
        %parallel_loop3A_310 = arith.constant 0 : i32
        %parallel_loop3A_311 = arith.index_cast %parallel_loop3A_310 : i32 to index
        %parallel_loop3A_312 = arith.index_cast %parallel_loop3A_309 : i32 to index
        %parallel_loop3A_313 = tpu.vector_load %arg10[%parallel_loop3A_311, %parallel_loop3A_312] {strides = array<i32>} : memref<2x4096xf32, #tpu.memory_space<vmem>>, vector<16xf32>,
        tpu.vector_store %arg10[%parallel_loop3A_311, %parallel_loop3A_312], %parallel_loop3A_307 {strides = array<i32>} : memref<2x4096xf32, #tpu.memory_space<vmem>>, vector<16xf32>,
        %parallel_loop3A_314 = arith.index_cast %parallel_loop3A_304 : i32 to index
        %parallel_loop3A_315 = tpu.vector_load %arg9[%parallel_loop3A_314] {strides = array<i32>} : memref<16384xi32, #tpu.memory_space<vmem>>, vector<16xi32>,
        %parallel_loop3A_316 = tpu.vector_load_idx %arg8[%parallel_loop3A_315] : memref<100000xf32, #tpu.memory_space<vmem>>[vector<16xi32>], vector<16xf32>,
        %parallel_loop3A_317 = arith.constant 32 : i32
        %parallel_loop3A_318 = arith.muli %parallel_loop3A_294, %parallel_loop3A_317 : i32
        %parallel_loop3A_319 = arith.constant 16 : i32
        %parallel_loop3A_320 = arith.addi %parallel_loop3A_318, %parallel_loop3A_319 : i32
        %parallel_loop3A_321 = arith.constant 0 : i32
        %parallel_loop3A_322 = arith.index_cast %parallel_loop3A_321 : i32 to index
        %parallel_loop3A_323 = arith.index_cast %parallel_loop3A_320 : i32 to index
        %parallel_loop3A_324 = tpu.vector_load %arg10[%parallel_loop3A_322, %parallel_loop3A_323] {strides = array<i32>} : memref<2x4096xf32, #tpu.memory_space<vmem>>, vector<16xf32>,
        tpu.vector_store %arg10[%parallel_loop3A_322, %parallel_loop3A_323], %parallel_loop3A_316 {strides = array<i32>} : memref<2x4096xf32, #tpu.memory_space<vmem>>, vector<16xf32>,
      } {sc.loop_unroll_factor = 8 : i64, sc.parallel_access}
      %dma_start3A_180 = arith.constant 0 : i32
      %dma_start3A_181 = arith.constant 0 : i32
      %dma_start3A_182 = tpu.memref_slice %arg10[%dma_start3A_180, %dma_start3A_181] : memref<2x4096xf32, #tpu.memory_space<vmem>> -> memref<1x4096xf32, #tpu.memory_space<vmem>>
      %dma_start3A_183 = tpu.memref_squeeze %dma_start3A_182 : memref<1x4096xf32, #tpu.memory_space<vmem>> -> memref<4096xf32, #tpu.memory_space<vmem>>
      %dma_start3A_184 = arith.constant 0 : i32
      %dma_start3A_185 = tpu.memref_slice %arg6[%add3A_125, %dma_start3A_184] : memref<832x16384xf32, #tpu.memory_space<hbm>> -> memref<1x4096xf32, #tpu.memory_space<hbm>>
      %dma_start3A_186 = tpu.memref_squeeze %dma_start3A_185 : memref<1x4096xf32, #tpu.memory_space<hbm>> -> memref<4096xf32, #tpu.memory_space<hbm>>
      %dma_start3A_187 = arith.constant 0 : i32
      %dma_start3A_188 = tpu.memref_slice %arg6[%add3A_125, %dma_start3A_187] : memref<832x16384xf32, #tpu.memory_space<hbm>> -> memref<1x4096xf32, #tpu.memory_space<hbm>>
      %dma_start3A_189 = tpu.memref_squeeze %dma_start3A_188 : memref<1x4096xf32, #tpu.memory_space<hbm>> -> memref<4096xf32, #tpu.memory_space<hbm>>
      %dma_start3A_190 = arith.constant 0 : i32
      %dma_start3A_191 = tpu.memref_slice %arg10[%dma_start3A_180, %dma_start3A_190] : memref<2x4096xf32, #tpu.memory_space<vmem>> -> memref<1x4096xf32, #tpu.memory_space<vmem>>
      %dma_start3A_192 = tpu.memref_squeeze %dma_start3A_191 : memref<1x4096xf32, #tpu.memory_space<vmem>> -> memref<4096xf32, #tpu.memory_space<vmem>>
      tpu.enqueue_dma source(%dma_start3A_192 : memref<4096xf32, #tpu.memory_space<vmem>>) target(%dma_start3A_189 : memref<4096xf32, #tpu.memory_space<hbm>>) target_semaphore(%arg12 : memref<!tpu.dma_semaphore, #tpu.memory_space<semaphore_mem>>)
      %parallel_loop3A_193 = arith.constant 0 : i32
      %parallel_loop3A_194 = arith.constant 128 : i32
      %parallel_loop3A_195 = arith.constant 1 : i32
      scf.for %parallel_loop3A_294 = %parallel_loop3A_193 to %parallel_loop3A_194 step %parallel_loop3A_195  : i32 {
        %parallel_loop3A_295 = arith.constant 32 : i32
        %parallel_loop3A_296 = arith.muli %parallel_loop3A_294, %parallel_loop3A_295 : i32
        %parallel_loop3A_297 = arith.constant 4096 : i32
        %parallel_loop3A_298 = arith.addi %parallel_loop3A_297, %parallel_loop3A_296 : i32
        %parallel_loop3A_299 = arith.constant 32 : i32
        %parallel_loop3A_300 = arith.muli %parallel_loop3A_294, %parallel_loop3A_299 : i32
        %parallel_loop3A_301 = arith.constant 4096 : i32
        %parallel_loop3A_302 = arith.addi %parallel_loop3A_301, %parallel_loop3A_300 : i32
        %parallel_loop3A_303 = arith.constant 16 : i32
        %parallel_loop3A_304 = arith.addi %parallel_loop3A_302, %parallel_loop3A_303 : i32
        %parallel_loop3A_305 = arith.index_cast %parallel_loop3A_298 : i32 to index
        %parallel_loop3A_306 = tpu.vector_load %arg9[%parallel_loop3A_305] {strides = array<i32>} : memref<16384xi32, #tpu.memory_space<vmem>>, vector<16xi32>,
        %parallel_loop3A_307 = tpu.vector_load_idx %arg8[%parallel_loop3A_306] : memref<100000xf32, #tpu.memory_space<vmem>>[vector<16xi32>], vector<16xf32>,
        %parallel_loop3A_308 = arith.constant 32 : i32
        %parallel_loop3A_309 = arith.muli %parallel_loop3A_294, %parallel_loop3A_308 : i32
        %parallel_loop3A_310 = arith.constant 1 : i32
        %parallel_loop3A_311 = arith.index_cast %parallel_loop3A_310 : i32 to index
        %parallel_loop3A_312 = arith.index_cast %parallel_loop3A_309 : i32 to index
        %parallel_loop3A_313 = tpu.vector_load %arg10[%parallel_loop3A_311, %parallel_loop3A_312] {strides = array<i32>} : memref<2x4096xf32, #tpu.memory_space<vmem>>, vector<16xf32>,
        tpu.vector_store %arg10[%parallel_loop3A_311, %parallel_loop3A_312], %parallel_loop3A_307 {strides = array<i32>} : memref<2x4096xf32, #tpu.memory_space<vmem>>, vector<16xf32>,
        %parallel_loop3A_314 = arith.index_cast %parallel_loop3A_304 : i32 to index
        %parallel_loop3A_315 = tpu.vector_load %arg9[%parallel_loop3A_314] {strides = array<i32>} : memref<16384xi32, #tpu.memory_space<vmem>>, vector<16xi32>,
        %parallel_loop3A_316 = tpu.vector_load_idx %arg8[%parallel_loop3A_315] : memref<100000xf32, #tpu.memory_space<vmem>>[vector<16xi32>], vector<16xf32>,
        %parallel_loop3A_317 = arith.constant 32 : i32
        %parallel_loop3A_318 = arith.muli %parallel_loop3A_294, %parallel_loop3A_317 : i32
        %parallel_loop3A_319 = arith.constant 16 : i32
        %parallel_loop3A_320 = arith.addi %parallel_loop3A_318, %parallel_loop3A_319 : i32
        %parallel_loop3A_321 = arith.constant 1 : i32
        %parallel_loop3A_322 = arith.index_cast %parallel_loop3A_321 : i32 to index
        %parallel_loop3A_323 = arith.index_cast %parallel_loop3A_320 : i32 to index
        %parallel_loop3A_324 = tpu.vector_load %arg10[%parallel_loop3A_322, %parallel_loop3A_323] {strides = array<i32>} : memref<2x4096xf32, #tpu.memory_space<vmem>>, vector<16xf32>,
        tpu.vector_store %arg10[%parallel_loop3A_322, %parallel_loop3A_323], %parallel_loop3A_316 {strides = array<i32>} : memref<2x4096xf32, #tpu.memory_space<vmem>>, vector<16xf32>,
      } {sc.loop_unroll_factor = 8 : i64, sc.parallel_access}
      %dma_start3A_196 = arith.constant 1 : i32
      %dma_start3A_197 = arith.constant 0 : i32
      %dma_start3A_198 = tpu.memref_slice %arg10[%dma_start3A_196, %dma_start3A_197] : memref<2x4096xf32, #tpu.memory_space<vmem>> -> memref<1x4096xf32, #tpu.memory_space<vmem>>
      %dma_start3A_199 = tpu.memref_squeeze %dma_start3A_198 : memref<1x4096xf32, #tpu.memory_space<vmem>> -> memref<4096xf32, #tpu.memory_space<vmem>>
      %dma_start3A_200 = arith.constant 4096 : i32
      %dma_start3A_201 = tpu.memref_slice %arg6[%add3A_125, %dma_start3A_200] : memref<832x16384xf32, #tpu.memory_space<hbm>> -> memref<1x4096xf32, #tpu.memory_space<hbm>>
      %dma_start3A_202 = tpu.memref_squeeze %dma_start3A_201 : memref<1x4096xf32, #tpu.memory_space<hbm>> -> memref<4096xf32, #tpu.memory_space<hbm>>
      %dma_start3A_203 = arith.constant 4096 : i32
      %dma_start3A_204 = tpu.memref_slice %arg6[%add3A_125, %dma_start3A_203] : memref<832x16384xf32, #tpu.memory_space<hbm>> -> memref<1x4096xf32, #tpu.memory_space<hbm>>
      %dma_start3A_205 = tpu.memref_squeeze %dma_start3A_204 : memref<1x4096xf32, #tpu.memory_space<hbm>> -> memref<4096xf32, #tpu.memory_space<hbm>>
      %dma_start3A_206 = arith.constant 0 : i32
      %dma_start3A_207 = tpu.memref_slice %arg10[%dma_start3A_196, %dma_start3A_206] : memref<2x4096xf32, #tpu.memory_space<vmem>> -> memref<1x4096xf32, #tpu.memory_space<vmem>>
      %dma_start3A_208 = tpu.memref_squeeze %dma_start3A_207 : memref<1x4096xf32, #tpu.memory_space<vmem>> -> memref<4096xf32, #tpu.memory_space<vmem>>
      tpu.enqueue_dma source(%dma_start3A_208 : memref<4096xf32, #tpu.memory_space<vmem>>) target(%dma_start3A_205 : memref<4096xf32, #tpu.memory_space<hbm>>) target_semaphore(%arg13 : memref<!tpu.dma_semaphore, #tpu.memory_space<semaphore_mem>>)
      %dma_wait3A_209 = arith.constant 0 : i32
      %dma_wait3A_210 = arith.constant 0 : i32
      %dma_wait3A_211 = tpu.memref_slice %arg10[%dma_wait3A_209, %dma_wait3A_210] : memref<2x4096xf32, #tpu.memory_space<vmem>> -> memref<1x4096xf32, #tpu.memory_space<vmem>>
      %dma_wait3A_212 = tpu.memref_squeeze %dma_wait3A_211 : memref<1x4096xf32, #tpu.memory_space<vmem>> -> memref<4096xf32, #tpu.memory_space<vmem>>
      %dma_wait3A_213 = arith.constant 0 : i32
      %dma_wait3A_214 = tpu.memref_slice %arg6[%add3A_125, %dma_wait3A_213] : memref<832x16384xf32, #tpu.memory_space<hbm>> -> memref<1x4096xf32, #tpu.memory_space<hbm>>
      %dma_wait3A_215 = tpu.memref_squeeze %dma_wait3A_214 : memref<1x4096xf32, #tpu.memory_space<hbm>> -> memref<4096xf32, #tpu.memory_space<hbm>>
      %dma_wait3A_216 = arith.constant 0 : i32
      %dma_wait3A_217 = tpu.memref_slice %arg6[%add3A_125, %dma_wait3A_216] : memref<832x16384xf32, #tpu.memory_space<hbm>> -> memref<1x4096xf32, #tpu.memory_space<hbm>>
      %dma_wait3A_218 = tpu.memref_squeeze %dma_wait3A_217 : memref<1x4096xf32, #tpu.memory_space<hbm>> -> memref<4096xf32, #tpu.memory_space<hbm>>
      %dma_wait3A_219 = arith.constant 0 : i32
      %dma_wait3A_220 = tpu.memref_slice %arg10[%dma_wait3A_209, %dma_wait3A_219] : memref<2x4096xf32, #tpu.memory_space<vmem>> -> memref<1x4096xf32, #tpu.memory_space<vmem>>
      %dma_wait3A_221 = tpu.memref_squeeze %dma_wait3A_220 : memref<1x4096xf32, #tpu.memory_space<vmem>> -> memref<4096xf32, #tpu.memory_space<vmem>>
      tpu.wait_dma2 semaphore(%arg12 : memref<!tpu.dma_semaphore, #tpu.memory_space<semaphore_mem>>) src(%dma_wait3A_221 : memref<4096xf32, #tpu.memory_space<vmem>>) dst(%dma_wait3A_218 : memref<4096xf32, #tpu.memory_space<hbm>>)
      %parallel_loop3A_222 = arith.constant 0 : i32
      %parallel_loop3A_223 = arith.constant 128 : i32
      %parallel_loop3A_224 = arith.constant 1 : i32
      scf.for %parallel_loop3A_294 = %parallel_loop3A_222 to %parallel_loop3A_223 step %parallel_loop3A_224  : i32 {
        %parallel_loop3A_295 = arith.constant 32 : i32
        %parallel_loop3A_296 = arith.muli %parallel_loop3A_294, %parallel_loop3A_295 : i32
        %parallel_loop3A_297 = arith.constant 8192 : i32
        %parallel_loop3A_298 = arith.addi %parallel_loop3A_297, %parallel_loop3A_296 : i32
        %parallel_loop3A_299 = arith.constant 32 : i32
        %parallel_loop3A_300 = arith.muli %parallel_loop3A_294, %parallel_loop3A_299 : i32
        %parallel_loop3A_301 = arith.constant 8192 : i32
        %parallel_loop3A_302 = arith.addi %parallel_loop3A_301, %parallel_loop3A_300 : i32
        %parallel_loop3A_303 = arith.constant 16 : i32
        %parallel_loop3A_304 = arith.addi %parallel_loop3A_302, %parallel_loop3A_303 : i32
        %parallel_loop3A_305 = arith.index_cast %parallel_loop3A_298 : i32 to index
        %parallel_loop3A_306 = tpu.vector_load %arg9[%parallel_loop3A_305] {strides = array<i32>} : memref<16384xi32, #tpu.memory_space<vmem>>, vector<16xi32>,
        %parallel_loop3A_307 = tpu.vector_load_idx %arg8[%parallel_loop3A_306] : memref<100000xf32, #tpu.memory_space<vmem>>[vector<16xi32>], vector<16xf32>,
        %parallel_loop3A_308 = arith.constant 32 : i32
        %parallel_loop3A_309 = arith.muli %parallel_loop3A_294, %parallel_loop3A_308 : i32
        %parallel_loop3A_310 = arith.constant 0 : i32
        %parallel_loop3A_311 = arith.index_cast %parallel_loop3A_310 : i32 to index
        %parallel_loop3A_312 = arith.index_cast %parallel_loop3A_309 : i32 to index
        %parallel_loop3A_313 = tpu.vector_load %arg10[%parallel_loop3A_311, %parallel_loop3A_312] {strides = array<i32>} : memref<2x4096xf32, #tpu.memory_space<vmem>>, vector<16xf32>,
        tpu.vector_store %arg10[%parallel_loop3A_311, %parallel_loop3A_312], %parallel_loop3A_307 {strides = array<i32>} : memref<2x4096xf32, #tpu.memory_space<vmem>>, vector<16xf32>,
        %parallel_loop3A_314 = arith.index_cast %parallel_loop3A_304 : i32 to index
        %parallel_loop3A_315 = tpu.vector_load %arg9[%parallel_loop3A_314] {strides = array<i32>} : memref<16384xi32, #tpu.memory_space<vmem>>, vector<16xi32>,
        %parallel_loop3A_316 = tpu.vector_load_idx %arg8[%parallel_loop3A_315] : memref<100000xf32, #tpu.memory_space<vmem>>[vector<16xi32>], vector<16xf32>,
        %parallel_loop3A_317 = arith.constant 32 : i32
        %parallel_loop3A_318 = arith.muli %parallel_loop3A_294, %parallel_loop3A_317 : i32
        %parallel_loop3A_319 = arith.constant 16 : i32
        %parallel_loop3A_320 = arith.addi %parallel_loop3A_318, %parallel_loop3A_319 : i32
        %parallel_loop3A_321 = arith.constant 0 : i32
        %parallel_loop3A_322 = arith.index_cast %parallel_loop3A_321 : i32 to index
        %parallel_loop3A_323 = arith.index_cast %parallel_loop3A_320 : i32 to index
        %parallel_loop3A_324 = tpu.vector_load %arg10[%parallel_loop3A_322, %parallel_loop3A_323] {strides = array<i32>} : memref<2x4096xf32, #tpu.memory_space<vmem>>, vector<16xf32>,
        tpu.vector_store %arg10[%parallel_loop3A_322, %parallel_loop3A_323], %parallel_loop3A_316 {strides = array<i32>} : memref<2x4096xf32, #tpu.memory_space<vmem>>, vector<16xf32>,
      } {sc.loop_unroll_factor = 8 : i64, sc.parallel_access}
      %dma_start3A_225 = arith.constant 0 : i32
      %dma_start3A_226 = arith.constant 0 : i32
      %dma_start3A_227 = tpu.memref_slice %arg10[%dma_start3A_225, %dma_start3A_226] : memref<2x4096xf32, #tpu.memory_space<vmem>> -> memref<1x4096xf32, #tpu.memory_space<vmem>>
      %dma_start3A_228 = tpu.memref_squeeze %dma_start3A_227 : memref<1x4096xf32, #tpu.memory_space<vmem>> -> memref<4096xf32, #tpu.memory_space<vmem>>
      %dma_start3A_229 = arith.constant 8192 : i32
      %dma_start3A_230 = tpu.memref_slice %arg6[%add3A_125, %dma_start3A_229] : memref<832x16384xf32, #tpu.memory_space<hbm>> -> memref<1x4096xf32, #tpu.memory_space<hbm>>
      %dma_start3A_231 = tpu.memref_squeeze %dma_start3A_230 : memref<1x4096xf32, #tpu.memory_space<hbm>> -> memref<4096xf32, #tpu.memory_space<hbm>>
      %dma_start3A_232 = arith.constant 8192 : i32
      %dma_start3A_233 = tpu.memref_slice %arg6[%add3A_125, %dma_start3A_232] : memref<832x16384xf32, #tpu.memory_space<hbm>> -> memref<1x4096xf32, #tpu.memory_space<hbm>>
      %dma_start3A_234 = tpu.memref_squeeze %dma_start3A_233 : memref<1x4096xf32, #tpu.memory_space<hbm>> -> memref<4096xf32, #tpu.memory_space<hbm>>
      %dma_start3A_235 = arith.constant 0 : i32
      %dma_start3A_236 = tpu.memref_slice %arg10[%dma_start3A_225, %dma_start3A_235] : memref<2x4096xf32, #tpu.memory_space<vmem>> -> memref<1x4096xf32, #tpu.memory_space<vmem>>
      %dma_start3A_237 = tpu.memref_squeeze %dma_start3A_236 : memref<1x4096xf32, #tpu.memory_space<vmem>> -> memref<4096xf32, #tpu.memory_space<vmem>>
      tpu.enqueue_dma source(%dma_start3A_237 : memref<4096xf32, #tpu.memory_space<vmem>>) target(%dma_start3A_234 : memref<4096xf32, #tpu.memory_space<hbm>>) target_semaphore(%arg12 : memref<!tpu.dma_semaphore, #tpu.memory_space<semaphore_mem>>)
      %dma_wait3A_238 = arith.constant 1 : i32
      %dma_wait3A_239 = arith.constant 0 : i32
      %dma_wait3A_240 = tpu.memref_slice %arg10[%dma_wait3A_238, %dma_wait3A_239] : memref<2x4096xf32, #tpu.memory_space<vmem>> -> memref<1x4096xf32, #tpu.memory_space<vmem>>
      %dma_wait3A_241 = tpu.memref_squeeze %dma_wait3A_240 : memref<1x4096xf32, #tpu.memory_space<vmem>> -> memref<4096xf32, #tpu.memory_space<vmem>>
      %dma_wait3A_242 = arith.constant 4096 : i32
      %dma_wait3A_243 = tpu.memref_slice %arg6[%add3A_125, %dma_wait3A_242] : memref<832x16384xf32, #tpu.memory_space<hbm>> -> memref<1x4096xf32, #tpu.memory_space<hbm>>
      %dma_wait3A_244 = tpu.memref_squeeze %dma_wait3A_243 : memref<1x4096xf32, #tpu.memory_space<hbm>> -> memref<4096xf32, #tpu.memory_space<hbm>>
      %dma_wait3A_245 = arith.constant 4096 : i32
      %dma_wait3A_246 = tpu.memref_slice %arg6[%add3A_125, %dma_wait3A_245] : memref<832x16384xf32, #tpu.memory_space<hbm>> -> memref<1x4096xf32, #tpu.memory_space<hbm>>
      %dma_wait3A_247 = tpu.memref_squeeze %dma_wait3A_246 : memref<1x4096xf32, #tpu.memory_space<hbm>> -> memref<4096xf32, #tpu.memory_space<hbm>>
      %dma_wait3A_248 = arith.constant 0 : i32
      %dma_wait3A_249 = tpu.memref_slice %arg10[%dma_wait3A_238, %dma_wait3A_248] : memref<2x4096xf32, #tpu.memory_space<vmem>> -> memref<1x4096xf32, #tpu.memory_space<vmem>>
      %dma_wait3A_250 = tpu.memref_squeeze %dma_wait3A_249 : memref<1x4096xf32, #tpu.memory_space<vmem>> -> memref<4096xf32, #tpu.memory_space<vmem>>
      tpu.wait_dma2 semaphore(%arg13 : memref<!tpu.dma_semaphore, #tpu.memory_space<semaphore_mem>>) src(%dma_wait3A_250 : memref<4096xf32, #tpu.memory_space<vmem>>) dst(%dma_wait3A_247 : memref<4096xf32, #tpu.memory_space<hbm>>)
      %parallel_loop3A_251 = arith.constant 0 : i32
      %parallel_loop3A_252 = arith.constant 128 : i32
      %parallel_loop3A_253 = arith.constant 1 : i32
      scf.for %parallel_loop3A_294 = %parallel_loop3A_251 to %parallel_loop3A_252 step %parallel_loop3A_253  : i32 {
        %parallel_loop3A_295 = arith.constant 32 : i32
        %parallel_loop3A_296 = arith.muli %parallel_loop3A_294, %parallel_loop3A_295 : i32
        %parallel_loop3A_297 = arith.constant 12288 : i32
        %parallel_loop3A_298 = arith.addi %parallel_loop3A_297, %parallel_loop3A_296 : i32
        %parallel_loop3A_299 = arith.constant 32 : i32
        %parallel_loop3A_300 = arith.muli %parallel_loop3A_294, %parallel_loop3A_299 : i32
        %parallel_loop3A_301 = arith.constant 12288 : i32
        %parallel_loop3A_302 = arith.addi %parallel_loop3A_301, %parallel_loop3A_300 : i32
        %parallel_loop3A_303 = arith.constant 16 : i32
        %parallel_loop3A_304 = arith.addi %parallel_loop3A_302, %parallel_loop3A_303 : i32
        %parallel_loop3A_305 = arith.index_cast %parallel_loop3A_298 : i32 to index
        %parallel_loop3A_306 = tpu.vector_load %arg9[%parallel_loop3A_305] {strides = array<i32>} : memref<16384xi32, #tpu.memory_space<vmem>>, vector<16xi32>,
        %parallel_loop3A_307 = tpu.vector_load_idx %arg8[%parallel_loop3A_306] : memref<100000xf32, #tpu.memory_space<vmem>>[vector<16xi32>], vector<16xf32>,
        %parallel_loop3A_308 = arith.constant 32 : i32
        %parallel_loop3A_309 = arith.muli %parallel_loop3A_294, %parallel_loop3A_308 : i32
        %parallel_loop3A_310 = arith.constant 1 : i32
        %parallel_loop3A_311 = arith.index_cast %parallel_loop3A_310 : i32 to index
        %parallel_loop3A_312 = arith.index_cast %parallel_loop3A_309 : i32 to index
        %parallel_loop3A_313 = tpu.vector_load %arg10[%parallel_loop3A_311, %parallel_loop3A_312] {strides = array<i32>} : memref<2x4096xf32, #tpu.memory_space<vmem>>, vector<16xf32>,
        tpu.vector_store %arg10[%parallel_loop3A_311, %parallel_loop3A_312], %parallel_loop3A_307 {strides = array<i32>} : memref<2x4096xf32, #tpu.memory_space<vmem>>, vector<16xf32>,
        %parallel_loop3A_314 = arith.index_cast %parallel_loop3A_304 : i32 to index
        %parallel_loop3A_315 = tpu.vector_load %arg9[%parallel_loop3A_314] {strides = array<i32>} : memref<16384xi32, #tpu.memory_space<vmem>>, vector<16xi32>,
        %parallel_loop3A_316 = tpu.vector_load_idx %arg8[%parallel_loop3A_315] : memref<100000xf32, #tpu.memory_space<vmem>>[vector<16xi32>], vector<16xf32>,
        %parallel_loop3A_317 = arith.constant 32 : i32
        %parallel_loop3A_318 = arith.muli %parallel_loop3A_294, %parallel_loop3A_317 : i32
        %parallel_loop3A_319 = arith.constant 16 : i32
        %parallel_loop3A_320 = arith.addi %parallel_loop3A_318, %parallel_loop3A_319 : i32
        %parallel_loop3A_321 = arith.constant 1 : i32
        %parallel_loop3A_322 = arith.index_cast %parallel_loop3A_321 : i32 to index
        %parallel_loop3A_323 = arith.index_cast %parallel_loop3A_320 : i32 to index
        %parallel_loop3A_324 = tpu.vector_load %arg10[%parallel_loop3A_322, %parallel_loop3A_323] {strides = array<i32>} : memref<2x4096xf32, #tpu.memory_space<vmem>>, vector<16xf32>,
        tpu.vector_store %arg10[%parallel_loop3A_322, %parallel_loop3A_323], %parallel_loop3A_316 {strides = array<i32>} : memref<2x4096xf32, #tpu.memory_space<vmem>>, vector<16xf32>,
      } {sc.loop_unroll_factor = 8 : i64, sc.parallel_access}
      %dma_start3A_254 = arith.constant 1 : i32
      %dma_start3A_255 = arith.constant 0 : i32
      %dma_start3A_256 = tpu.memref_slice %arg10[%dma_start3A_254, %dma_start3A_255] : memref<2x4096xf32, #tpu.memory_space<vmem>> -> memref<1x4096xf32, #tpu.memory_space<vmem>>
      %dma_start3A_257 = tpu.memref_squeeze %dma_start3A_256 : memref<1x4096xf32, #tpu.memory_space<vmem>> -> memref<4096xf32, #tpu.memory_space<vmem>>
      %dma_start3A_258 = arith.constant 12288 : i32
      %dma_start3A_259 = tpu.memref_slice %arg6[%add3A_125, %dma_start3A_258] : memref<832x16384xf32, #tpu.memory_space<hbm>> -> memref<1x4096xf32, #tpu.memory_space<hbm>>
      %dma_start3A_260 = tpu.memref_squeeze %dma_start3A_259 : memref<1x4096xf32, #tpu.memory_space<hbm>> -> memref<4096xf32, #tpu.memory_space<hbm>>
      %dma_start3A_261 = arith.constant 12288 : i32
      %dma_start3A_262 = tpu.memref_slice %arg6[%add3A_125, %dma_start3A_261] : memref<832x16384xf32, #tpu.memory_space<hbm>> -> memref<1x4096xf32, #tpu.memory_space<hbm>>
      %dma_start3A_263 = tpu.memref_squeeze %dma_start3A_262 : memref<1x4096xf32, #tpu.memory_space<hbm>> -> memref<4096xf32, #tpu.memory_space<hbm>>
      %dma_start3A_264 = arith.constant 0 : i32
      %dma_start3A_265 = tpu.memref_slice %arg10[%dma_start3A_254, %dma_start3A_264] : memref<2x4096xf32, #tpu.memory_space<vmem>> -> memref<1x4096xf32, #tpu.memory_space<vmem>>
      %dma_start3A_266 = tpu.memref_squeeze %dma_start3A_265 : memref<1x4096xf32, #tpu.memory_space<vmem>> -> memref<4096xf32, #tpu.memory_space<vmem>>
      tpu.enqueue_dma source(%dma_start3A_266 : memref<4096xf32, #tpu.memory_space<vmem>>) target(%dma_start3A_263 : memref<4096xf32, #tpu.memory_space<hbm>>) target_semaphore(%arg13 : memref<!tpu.dma_semaphore, #tpu.memory_space<semaphore_mem>>)
      %dma_wait3A_267 = arith.constant 0 : i32
      %dma_wait3A_268 = arith.constant 0 : i32
      %dma_wait3A_269 = tpu.memref_slice %arg10[%dma_wait3A_267, %dma_wait3A_268] : memref<2x4096xf32, #tpu.memory_space<vmem>> -> memref<1x4096xf32, #tpu.memory_space<vmem>>
      %dma_wait3A_270 = tpu.memref_squeeze %dma_wait3A_269 : memref<1x4096xf32, #tpu.memory_space<vmem>> -> memref<4096xf32, #tpu.memory_space<vmem>>
      %dma_wait3A_271 = arith.constant 8192 : i32
      %dma_wait3A_272 = tpu.memref_slice %arg6[%add3A_125, %dma_wait3A_271] : memref<832x16384xf32, #tpu.memory_space<hbm>> -> memref<1x4096xf32, #tpu.memory_space<hbm>>
      %dma_wait3A_273 = tpu.memref_squeeze %dma_wait3A_272 : memref<1x4096xf32, #tpu.memory_space<hbm>> -> memref<4096xf32, #tpu.memory_space<hbm>>
      %dma_wait3A_274 = arith.constant 8192 : i32
      %dma_wait3A_275 = tpu.memref_slice %arg6[%add3A_125, %dma_wait3A_274] : memref<832x16384xf32, #tpu.memory_space<hbm>> -> memref<1x4096xf32, #tpu.memory_space<hbm>>
      %dma_wait3A_276 = tpu.memref_squeeze %dma_wait3A_275 : memref<1x4096xf32, #tpu.memory_space<hbm>> -> memref<4096xf32, #tpu.memory_space<hbm>>
      %dma_wait3A_277 = arith.constant 0 : i32
      %dma_wait3A_278 = tpu.memref_slice %arg10[%dma_wait3A_267, %dma_wait3A_277] : memref<2x4096xf32, #tpu.memory_space<vmem>> -> memref<1x4096xf32, #tpu.memory_space<vmem>>
      %dma_wait3A_279 = tpu.memref_squeeze %dma_wait3A_278 : memref<1x4096xf32, #tpu.memory_space<vmem>> -> memref<4096xf32, #tpu.memory_space<vmem>>
      tpu.wait_dma2 semaphore(%arg12 : memref<!tpu.dma_semaphore, #tpu.memory_space<semaphore_mem>>) src(%dma_wait3A_279 : memref<4096xf32, #tpu.memory_space<vmem>>) dst(%dma_wait3A_276 : memref<4096xf32, #tpu.memory_space<hbm>>)
      %dma_wait3A_280 = arith.constant 1 : i32
      %dma_wait3A_281 = arith.constant 0 : i32
      %dma_wait3A_282 = tpu.memref_slice %arg10[%dma_wait3A_280, %dma_wait3A_281] : memref<2x4096xf32, #tpu.memory_space<vmem>> -> memref<1x4096xf32, #tpu.memory_space<vmem>>
      %dma_wait3A_283 = tpu.memref_squeeze %dma_wait3A_282 : memref<1x4096xf32, #tpu.memory_space<vmem>> -> memref<4096xf32, #tpu.memory_space<vmem>>
      %dma_wait3A_284 = arith.constant 12288 : i32
      %dma_wait3A_285 = tpu.memref_slice %arg6[%add3A_125, %dma_wait3A_284] : memref<832x16384xf32, #tpu.memory_space<hbm>> -> memref<1x4096xf32, #tpu.memory_space<hbm>>
      %dma_wait3A_286 = tpu.memref_squeeze %dma_wait3A_285 : memref<1x4096xf32, #tpu.memory_space<hbm>> -> memref<4096xf32, #tpu.memory_space<hbm>>
      %dma_wait3A_287 = arith.constant 12288 : i32
      %dma_wait3A_288 = tpu.memref_slice %arg6[%add3A_125, %dma_wait3A_287] : memref<832x16384xf32, #tpu.memory_space<hbm>> -> memref<1x4096xf32, #tpu.memory_space<hbm>>
      %dma_wait3A_289 = tpu.memref_squeeze %dma_wait3A_288 : memref<1x4096xf32, #tpu.memory_space<hbm>> -> memref<4096xf32, #tpu.memory_space<hbm>>
      %dma_wait3A_290 = arith.constant 0 : i32
      %dma_wait3A_291 = tpu.memref_slice %arg10[%dma_wait3A_280, %dma_wait3A_290] : memref<2x4096xf32, #tpu.memory_space<vmem>> -> memref<1x4096xf32, #tpu.memory_space<vmem>>
      %dma_wait3A_292 = tpu.memref_squeeze %dma_wait3A_291 : memref<1x4096xf32, #tpu.memory_space<vmem>> -> memref<4096xf32, #tpu.memory_space<vmem>>
      tpu.wait_dma2 semaphore(%arg13 : memref<!tpu.dma_semaphore, #tpu.memory_space<semaphore_mem>>) src(%dma_wait3A_292 : memref<4096xf32, #tpu.memory_space<vmem>>) dst(%dma_wait3A_289 : memref<4096xf32, #tpu.memory_space<hbm>>)
      %scan3A_293 = arith.constant 0 : i32
      scf.yield %scan3A_293 : i32
    }
    %scan3A_6 = arith.constant 26 : i32
    "tpu.region"() ({
      %run_scoped3A = tpu.sem_alloc : memref<!tpu.dma_semaphore, #tpu.memory_space<semaphore_mem>>
      tpu.enqueue_dma source(%arg5 : memref<16xi32, #tpu.memory_space<hbm>>) target(%arg11 : memref<16xi32, #tpu.memory_space<vmem>>) target_semaphore(%run_scoped3A : memref<!tpu.dma_semaphore, #tpu.memory_space<semaphore_mem>>)
      tpu.wait_dma2 semaphore(%run_scoped3A : memref<!tpu.dma_semaphore, #tpu.memory_space<semaphore_mem>>) src(%arg5 : memref<16xi32, #tpu.memory_space<hbm>>) dst(%arg11 : memref<16xi32, #tpu.memory_space<vmem>>)
      tpu.yield
    }) : () -> ()
    "tpu.region"() ({
      %run_scoped3A = tpu.sem_alloc : memref<!tpu.dma_semaphore, #tpu.memory_space<semaphore_mem>>
      tpu.enqueue_dma source(%arg3 : memref<16384xi32, #tpu.memory_space<hbm>>) target(%arg9 : memref<16384xi32, #tpu.memory_space<vmem>>) target_semaphore(%run_scoped3A : memref<!tpu.dma_semaphore, #tpu.memory_space<semaphore_mem>>)
      tpu.wait_dma2 semaphore(%run_scoped3A : memref<!tpu.dma_semaphore, #tpu.memory_space<semaphore_mem>>) src(%arg3 : memref<16384xi32, #tpu.memory_space<hbm>>) dst(%arg9 : memref<16384xi32, #tpu.memory_space<vmem>>)
      tpu.yield
    }) : () -> ()
    %get3A = arith.constant 0 : index
    %get3A_7 = tpu.vector_load %arg11[%get3A] {strides = array<i32>} : memref<16xi32, #tpu.memory_space<vmem>>, vector<16xi32>,
    %slice3A = vector.extract_strided_slice %get3A_7 {offsets = [0], sizes = [1], strides = [1]} : vector<16xi32> to vector<1xi32>
    %squeeze3A = vector.extract %slice3A[0] : i32 from vector<1xi32>
    "tpu.region"() ({
      %run_scoped3A = tpu.sem_alloc : memref<!tpu.dma_semaphore, #tpu.memory_space<semaphore_mem>>
      %dma_start3A_121 = arith.constant 0 : i32
      %dma_start3A_122 = tpu.memref_slice %arg4[%squeeze3A, %add3A, %dma_start3A_121] : memref<26x32x100000xf32, #tpu.memory_space<hbm>> -> memref<1x1x100000xf32, #tpu.memory_space<hbm>>
      %dma_start3A_123 = tpu.memref_squeeze %dma_start3A_122 : memref<1x1x100000xf32, #tpu.memory_space<hbm>> -> memref<100000xf32, #tpu.memory_space<hbm>>
      %dma_start3A_124 = arith.constant 0 : i32
      %dma_start3A_125 = tpu.memref_slice %arg4[%squeeze3A, %add3A, %dma_start3A_124] : memref<26x32x100000xf32, #tpu.memory_space<hbm>> -> memref<1x1x100000xf32, #tpu.memory_space<hbm>>
      %dma_start3A_126 = tpu.memref_squeeze %dma_start3A_125 : memref<1x1x100000xf32, #tpu.memory_space<hbm>> -> memref<100000xf32, #tpu.memory_space<hbm>>
      tpu.enqueue_dma source(%dma_start3A_126 : memref<100000xf32, #tpu.memory_space<hbm>>) target(%arg8 : memref<100000xf32, #tpu.memory_space<vmem>>) target_semaphore(%run_scoped3A : memref<!tpu.dma_semaphore, #tpu.memory_space<semaphore_mem>>)
      %dma_wait3A_127 = arith.constant 0 : i32
      %dma_wait3A_128 = tpu.memref_slice %arg4[%squeeze3A, %add3A, %dma_wait3A_127] : memref<26x32x100000xf32, #tpu.memory_space<hbm>> -> memref<1x1x100000xf32, #tpu.memory_space<hbm>>
      %dma_wait3A_129 = tpu.memref_squeeze %dma_wait3A_128 : memref<1x1x100000xf32, #tpu.memory_space<hbm>> -> memref<100000xf32, #tpu.memory_space<hbm>>
      %dma_wait3A_130 = arith.constant 0 : i32
      %dma_wait3A_131 = tpu.memref_slice %arg4[%squeeze3A, %add3A, %dma_wait3A_130] : memref<26x32x100000xf32, #tpu.memory_space<hbm>> -> memref<1x1x100000xf32, #tpu.memory_space<hbm>>
      %dma_wait3A_132 = tpu.memref_squeeze %dma_wait3A_131 : memref<1x1x100000xf32, #tpu.memory_space<hbm>> -> memref<100000xf32, #tpu.memory_space<hbm>>
      tpu.wait_dma2 semaphore(%run_scoped3A : memref<!tpu.dma_semaphore, #tpu.memory_space<semaphore_mem>>) src(%dma_wait3A_132 : memref<100000xf32, #tpu.memory_space<hbm>>) dst(%arg8 : memref<100000xf32, #tpu.memory_space<vmem>>)
      tpu.yield
    }) : () -> ()
    %parallel_loop3A = arith.constant 0 : i32
    %parallel_loop3A_8 = arith.constant 128 : i32
    %parallel_loop3A_9 = arith.constant 1 : i32
    scf.for %parallel_loop3A_121 = %parallel_loop3A to %parallel_loop3A_8 step %parallel_loop3A_9  : i32 {
      %parallel_loop3A_122 = arith.constant 32 : i32
      %parallel_loop3A_123 = arith.muli %parallel_loop3A_121, %parallel_loop3A_122 : i32
      %parallel_loop3A_124 = arith.constant 0 : i32
      %parallel_loop3A_125 = arith.addi %parallel_loop3A_124, %parallel_loop3A_123 : i32
      %parallel_loop3A_126 = arith.constant 32 : i32
      %parallel_loop3A_127 = arith.muli %parallel_loop3A_121, %parallel_loop3A_126 : i32
      %parallel_loop3A_128 = arith.constant 0 : i32
      %parallel_loop3A_129 = arith.addi %parallel_loop3A_128, %parallel_loop3A_127 : i32
      %parallel_loop3A_130 = arith.constant 16 : i32
      %parallel_loop3A_131 = arith.addi %parallel_loop3A_129, %parallel_loop3A_130 : i32
      %parallel_loop3A_132 = arith.index_cast %parallel_loop3A_125 : i32 to index
      %parallel_loop3A_133 = tpu.vector_load %arg9[%parallel_loop3A_132] {strides = array<i32>} : memref<16384xi32, #tpu.memory_space<vmem>>, vector<16xi32>,
      %parallel_loop3A_134 = tpu.vector_load_idx %arg8[%parallel_loop3A_133] : memref<100000xf32, #tpu.memory_space<vmem>>[vector<16xi32>], vector<16xf32>,
      %parallel_loop3A_135 = arith.constant 32 : i32
      %parallel_loop3A_136 = arith.muli %parallel_loop3A_121, %parallel_loop3A_135 : i32
      %parallel_loop3A_137 = arith.constant 0 : i32
      %parallel_loop3A_138 = arith.index_cast %parallel_loop3A_137 : i32 to index
      %parallel_loop3A_139 = arith.index_cast %parallel_loop3A_136 : i32 to index
      %parallel_loop3A_140 = tpu.vector_load %arg10[%parallel_loop3A_138, %parallel_loop3A_139] {strides = array<i32>} : memref<2x4096xf32, #tpu.memory_space<vmem>>, vector<16xf32>,
      tpu.vector_store %arg10[%parallel_loop3A_138, %parallel_loop3A_139], %parallel_loop3A_134 {strides = array<i32>} : memref<2x4096xf32, #tpu.memory_space<vmem>>, vector<16xf32>,
      %parallel_loop3A_141 = arith.index_cast %parallel_loop3A_131 : i32 to index
      %parallel_loop3A_142 = tpu.vector_load %arg9[%parallel_loop3A_141] {strides = array<i32>} : memref<16384xi32, #tpu.memory_space<vmem>>, vector<16xi32>,
      %parallel_loop3A_143 = tpu.vector_load_idx %arg8[%parallel_loop3A_142] : memref<100000xf32, #tpu.memory_space<vmem>>[vector<16xi32>], vector<16xf32>,
      %parallel_loop3A_144 = arith.constant 32 : i32
      %parallel_loop3A_145 = arith.muli %parallel_loop3A_121, %parallel_loop3A_144 : i32
      %parallel_loop3A_146 = arith.constant 16 : i32
      %parallel_loop3A_147 = arith.addi %parallel_loop3A_145, %parallel_loop3A_146 : i32
      %parallel_loop3A_148 = arith.constant 0 : i32
      %parallel_loop3A_149 = arith.index_cast %parallel_loop3A_148 : i32 to index
      %parallel_loop3A_150 = arith.index_cast %parallel_loop3A_147 : i32 to index
      %parallel_loop3A_151 = tpu.vector_load %arg10[%parallel_loop3A_149, %parallel_loop3A_150] {strides = array<i32>} : memref<2x4096xf32, #tpu.memory_space<vmem>>, vector<16xf32>,
      tpu.vector_store %arg10[%parallel_loop3A_149, %parallel_loop3A_150], %parallel_loop3A_143 {strides = array<i32>} : memref<2x4096xf32, #tpu.memory_space<vmem>>, vector<16xf32>,
    } {sc.loop_unroll_factor = 8 : i64, sc.parallel_access}
    %dma_start3A = arith.constant 0 : i32
    %dma_start3A_10 = arith.constant 0 : i32
    %dma_start3A_11 = tpu.memref_slice %arg10[%dma_start3A, %dma_start3A_10] : memref<2x4096xf32, #tpu.memory_space<vmem>> -> memref<1x4096xf32, #tpu.memory_space<vmem>>
    %dma_start3A_12 = tpu.memref_squeeze %dma_start3A_11 : memref<1x4096xf32, #tpu.memory_space<vmem>> -> memref<4096xf32, #tpu.memory_space<vmem>>
    %dma_start3A_13 = arith.constant 0 : i32
    %dma_start3A_14 = tpu.memref_slice %arg7[%add3A, %dma_start3A_13] : memref<32x16384xf32, #tpu.memory_space<hbm>> -> memref<1x4096xf32, #tpu.memory_space<hbm>>
    %dma_start3A_15 = tpu.memref_squeeze %dma_start3A_14 : memref<1x4096xf32, #tpu.memory_space<hbm>> -> memref<4096xf32, #tpu.memory_space<hbm>>
    %dma_start3A_16 = arith.constant 0 : i32
    %dma_start3A_17 = tpu.memref_slice %arg7[%add3A, %dma_start3A_16] : memref<32x16384xf32, #tpu.memory_space<hbm>> -> memref<1x4096xf32, #tpu.memory_space<hbm>>
    %dma_start3A_18 = tpu.memref_squeeze %dma_start3A_17 : memref<1x4096xf32, #tpu.memory_space<hbm>> -> memref<4096xf32, #tpu.memory_space<hbm>>
    %dma_start3A_19 = arith.constant 0 : i32
    %dma_start3A_20 = tpu.memref_slice %arg10[%dma_start3A, %dma_start3A_19] : memref<2x4096xf32, #tpu.memory_space<vmem>> -> memref<1x4096xf32, #tpu.memory_space<vmem>>
    %dma_start3A_21 = tpu.memref_squeeze %dma_start3A_20 : memref<1x4096xf32, #tpu.memory_space<vmem>> -> memref<4096xf32, #tpu.memory_space<vmem>>
    tpu.enqueue_dma source(%dma_start3A_21 : memref<4096xf32, #tpu.memory_space<vmem>>) target(%dma_start3A_18 : memref<4096xf32, #tpu.memory_space<hbm>>) target_semaphore(%arg12 : memref<!tpu.dma_semaphore, #tpu.memory_space<semaphore_mem>>)
    %parallel_loop3A_22 = arith.constant 0 : i32
    %parallel_loop3A_23 = arith.constant 128 : i32
    %parallel_loop3A_24 = arith.constant 1 : i32
    scf.for %parallel_loop3A_121 = %parallel_loop3A_22 to %parallel_loop3A_23 step %parallel_loop3A_24  : i32 {
      %parallel_loop3A_122 = arith.constant 32 : i32
      %parallel_loop3A_123 = arith.muli %parallel_loop3A_121, %parallel_loop3A_122 : i32
      %parallel_loop3A_124 = arith.constant 4096 : i32
      %parallel_loop3A_125 = arith.addi %parallel_loop3A_124, %parallel_loop3A_123 : i32
      %parallel_loop3A_126 = arith.constant 32 : i32
      %parallel_loop3A_127 = arith.muli %parallel_loop3A_121, %parallel_loop3A_126 : i32
      %parallel_loop3A_128 = arith.constant 4096 : i32
      %parallel_loop3A_129 = arith.addi %parallel_loop3A_128, %parallel_loop3A_127 : i32
      %parallel_loop3A_130 = arith.constant 16 : i32
      %parallel_loop3A_131 = arith.addi %parallel_loop3A_129, %parallel_loop3A_130 : i32
      %parallel_loop3A_132 = arith.index_cast %parallel_loop3A_125 : i32 to index
      %parallel_loop3A_133 = tpu.vector_load %arg9[%parallel_loop3A_132] {strides = array<i32>} : memref<16384xi32, #tpu.memory_space<vmem>>, vector<16xi32>,
      %parallel_loop3A_134 = tpu.vector_load_idx %arg8[%parallel_loop3A_133] : memref<100000xf32, #tpu.memory_space<vmem>>[vector<16xi32>], vector<16xf32>,
      %parallel_loop3A_135 = arith.constant 32 : i32
      %parallel_loop3A_136 = arith.muli %parallel_loop3A_121, %parallel_loop3A_135 : i32
      %parallel_loop3A_137 = arith.constant 1 : i32
      %parallel_loop3A_138 = arith.index_cast %parallel_loop3A_137 : i32 to index
      %parallel_loop3A_139 = arith.index_cast %parallel_loop3A_136 : i32 to index
      %parallel_loop3A_140 = tpu.vector_load %arg10[%parallel_loop3A_138, %parallel_loop3A_139] {strides = array<i32>} : memref<2x4096xf32, #tpu.memory_space<vmem>>, vector<16xf32>,
      tpu.vector_store %arg10[%parallel_loop3A_138, %parallel_loop3A_139], %parallel_loop3A_134 {strides = array<i32>} : memref<2x4096xf32, #tpu.memory_space<vmem>>, vector<16xf32>,
      %parallel_loop3A_141 = arith.index_cast %parallel_loop3A_131 : i32 to index
      %parallel_loop3A_142 = tpu.vector_load %arg9[%parallel_loop3A_141] {strides = array<i32>} : memref<16384xi32, #tpu.memory_space<vmem>>, vector<16xi32>,
      %parallel_loop3A_143 = tpu.vector_load_idx %arg8[%parallel_loop3A_142] : memref<100000xf32, #tpu.memory_space<vmem>>[vector<16xi32>], vector<16xf32>,
      %parallel_loop3A_144 = arith.constant 32 : i32
      %parallel_loop3A_145 = arith.muli %parallel_loop3A_121, %parallel_loop3A_144 : i32
      %parallel_loop3A_146 = arith.constant 16 : i32
      %parallel_loop3A_147 = arith.addi %parallel_loop3A_145, %parallel_loop3A_146 : i32
      %parallel_loop3A_148 = arith.constant 1 : i32
      %parallel_loop3A_149 = arith.index_cast %parallel_loop3A_148 : i32 to index
      %parallel_loop3A_150 = arith.index_cast %parallel_loop3A_147 : i32 to index
      %parallel_loop3A_151 = tpu.vector_load %arg10[%parallel_loop3A_149, %parallel_loop3A_150] {strides = array<i32>} : memref<2x4096xf32, #tpu.memory_space<vmem>>, vector<16xf32>,
      tpu.vector_store %arg10[%parallel_loop3A_149, %parallel_loop3A_150], %parallel_loop3A_143 {strides = array<i32>} : memref<2x4096xf32, #tpu.memory_space<vmem>>, vector<16xf32>,
    } {sc.loop_unroll_factor = 8 : i64, sc.parallel_access}
    %dma_start3A_25 = arith.constant 1 : i32
    %dma_start3A_26 = arith.constant 0 : i32
    %dma_start3A_27 = tpu.memref_slice %arg10[%dma_start3A_25, %dma_start3A_26] : memref<2x4096xf32, #tpu.memory_space<vmem>> -> memref<1x4096xf32, #tpu.memory_space<vmem>>
    %dma_start3A_28 = tpu.memref_squeeze %dma_start3A_27 : memref<1x4096xf32, #tpu.memory_space<vmem>> -> memref<4096xf32, #tpu.memory_space<vmem>>
    %dma_start3A_29 = arith.constant 4096 : i32
    %dma_start3A_30 = tpu.memref_slice %arg7[%add3A, %dma_start3A_29] : memref<32x16384xf32, #tpu.memory_space<hbm>> -> memref<1x4096xf32, #tpu.memory_space<hbm>>
    %dma_start3A_31 = tpu.memref_squeeze %dma_start3A_30 : memref<1x4096xf32, #tpu.memory_space<hbm>> -> memref<4096xf32, #tpu.memory_space<hbm>>
    %dma_start3A_32 = arith.constant 4096 : i32
    %dma_start3A_33 = tpu.memref_slice %arg7[%add3A, %dma_start3A_32] : memref<32x16384xf32, #tpu.memory_space<hbm>> -> memref<1x4096xf32, #tpu.memory_space<hbm>>
    %dma_start3A_34 = tpu.memref_squeeze %dma_start3A_33 : memref<1x4096xf32, #tpu.memory_space<hbm>> -> memref<4096xf32, #tpu.memory_space<hbm>>
    %dma_start3A_35 = arith.constant 0 : i32
    %dma_start3A_36 = tpu.memref_slice %arg10[%dma_start3A_25, %dma_start3A_35] : memref<2x4096xf32, #tpu.memory_space<vmem>> -> memref<1x4096xf32, #tpu.memory_space<vmem>>
    %dma_start3A_37 = tpu.memref_squeeze %dma_start3A_36 : memref<1x4096xf32, #tpu.memory_space<vmem>> -> memref<4096xf32, #tpu.memory_space<vmem>>
    tpu.enqueue_dma source(%dma_start3A_37 : memref<4096xf32, #tpu.memory_space<vmem>>) target(%dma_start3A_34 : memref<4096xf32, #tpu.memory_space<hbm>>) target_semaphore(%arg13 : memref<!tpu.dma_semaphore, #tpu.memory_space<semaphore_mem>>)
    %dma_wait3A = arith.constant 0 : i32
    %dma_wait3A_38 = arith.constant 0 : i32
    %dma_wait3A_39 = tpu.memref_slice %arg10[%dma_wait3A, %dma_wait3A_38] : memref<2x4096xf32, #tpu.memory_space<vmem>> -> memref<1x4096xf32, #tpu.memory_space<vmem>>
    %dma_wait3A_40 = tpu.memref_squeeze %dma_wait3A_39 : memref<1x4096xf32, #tpu.memory_space<vmem>> -> memref<4096xf32, #tpu.memory_space<vmem>>
    %dma_wait3A_41 = arith.constant 0 : i32
    %dma_wait3A_42 = tpu.memref_slice %arg7[%add3A, %dma_wait3A_41] : memref<32x16384xf32, #tpu.memory_space<hbm>> -> memref<1x4096xf32, #tpu.memory_space<hbm>>
    %dma_wait3A_43 = tpu.memref_squeeze %dma_wait3A_42 : memref<1x4096xf32, #tpu.memory_space<hbm>> -> memref<4096xf32, #tpu.memory_space<hbm>>
    %dma_wait3A_44 = arith.constant 0 : i32
    %dma_wait3A_45 = tpu.memref_slice %arg7[%add3A, %dma_wait3A_44] : memref<32x16384xf32, #tpu.memory_space<hbm>> -> memref<1x4096xf32, #tpu.memory_space<hbm>>
    %dma_wait3A_46 = tpu.memref_squeeze %dma_wait3A_45 : memref<1x4096xf32, #tpu.memory_space<hbm>> -> memref<4096xf32, #tpu.memory_space<hbm>>
    %dma_wait3A_47 = arith.constant 0 : i32
    %dma_wait3A_48 = tpu.memref_slice %arg10[%dma_wait3A, %dma_wait3A_47] : memref<2x4096xf32, #tpu.memory_space<vmem>> -> memref<1x4096xf32, #tpu.memory_space<vmem>>
    %dma_wait3A_49 = tpu.memref_squeeze %dma_wait3A_48 : memref<1x4096xf32, #tpu.memory_space<vmem>> -> memref<4096xf32, #tpu.memory_space<vmem>>
    tpu.wait_dma2 semaphore(%arg12 : memref<!tpu.dma_semaphore, #tpu.memory_space<semaphore_mem>>) src(%dma_wait3A_49 : memref<4096xf32, #tpu.memory_space<vmem>>) dst(%dma_wait3A_46 : memref<4096xf32, #tpu.memory_space<hbm>>)
    %parallel_loop3A_50 = arith.constant 0 : i32
    %parallel_loop3A_51 = arith.constant 128 : i32
    %parallel_loop3A_52 = arith.constant 1 : i32
    scf.for %parallel_loop3A_121 = %parallel_loop3A_50 to %parallel_loop3A_51 step %parallel_loop3A_52  : i32 {
      %parallel_loop3A_122 = arith.constant 32 : i32
      %parallel_loop3A_123 = arith.muli %parallel_loop3A_121, %parallel_loop3A_122 : i32
      %parallel_loop3A_124 = arith.constant 8192 : i32
      %parallel_loop3A_125 = arith.addi %parallel_loop3A_124, %parallel_loop3A_123 : i32
      %parallel_loop3A_126 = arith.constant 32 : i32
      %parallel_loop3A_127 = arith.muli %parallel_loop3A_121, %parallel_loop3A_126 : i32
      %parallel_loop3A_128 = arith.constant 8192 : i32
      %parallel_loop3A_129 = arith.addi %parallel_loop3A_128, %parallel_loop3A_127 : i32
      %parallel_loop3A_130 = arith.constant 16 : i32
      %parallel_loop3A_131 = arith.addi %parallel_loop3A_129, %parallel_loop3A_130 : i32
      %parallel_loop3A_132 = arith.index_cast %parallel_loop3A_125 : i32 to index
      %parallel_loop3A_133 = tpu.vector_load %arg9[%parallel_loop3A_132] {strides = array<i32>} : memref<16384xi32, #tpu.memory_space<vmem>>, vector<16xi32>,
      %parallel_loop3A_134 = tpu.vector_load_idx %arg8[%parallel_loop3A_133] : memref<100000xf32, #tpu.memory_space<vmem>>[vector<16xi32>], vector<16xf32>,
      %parallel_loop3A_135 = arith.constant 32 : i32
      %parallel_loop3A_136 = arith.muli %parallel_loop3A_121, %parallel_loop3A_135 : i32
      %parallel_loop3A_137 = arith.constant 0 : i32
      %parallel_loop3A_138 = arith.index_cast %parallel_loop3A_137 : i32 to index
      %parallel_loop3A_139 = arith.index_cast %parallel_loop3A_136 : i32 to index
      %parallel_loop3A_140 = tpu.vector_load %arg10[%parallel_loop3A_138, %parallel_loop3A_139] {strides = array<i32>} : memref<2x4096xf32, #tpu.memory_space<vmem>>, vector<16xf32>,
      tpu.vector_store %arg10[%parallel_loop3A_138, %parallel_loop3A_139], %parallel_loop3A_134 {strides = array<i32>} : memref<2x4096xf32, #tpu.memory_space<vmem>>, vector<16xf32>,
      %parallel_loop3A_141 = arith.index_cast %parallel_loop3A_131 : i32 to index
      %parallel_loop3A_142 = tpu.vector_load %arg9[%parallel_loop3A_141] {strides = array<i32>} : memref<16384xi32, #tpu.memory_space<vmem>>, vector<16xi32>,
      %parallel_loop3A_143 = tpu.vector_load_idx %arg8[%parallel_loop3A_142] : memref<100000xf32, #tpu.memory_space<vmem>>[vector<16xi32>], vector<16xf32>,
      %parallel_loop3A_144 = arith.constant 32 : i32
      %parallel_loop3A_145 = arith.muli %parallel_loop3A_121, %parallel_loop3A_144 : i32
      %parallel_loop3A_146 = arith.constant 16 : i32
      %parallel_loop3A_147 = arith.addi %parallel_loop3A_145, %parallel_loop3A_146 : i32
      %parallel_loop3A_148 = arith.constant 0 : i32
      %parallel_loop3A_149 = arith.index_cast %parallel_loop3A_148 : i32 to index
      %parallel_loop3A_150 = arith.index_cast %parallel_loop3A_147 : i32 to index
      %parallel_loop3A_151 = tpu.vector_load %arg10[%parallel_loop3A_149, %parallel_loop3A_150] {strides = array<i32>} : memref<2x4096xf32, #tpu.memory_space<vmem>>, vector<16xf32>,
      tpu.vector_store %arg10[%parallel_loop3A_149, %parallel_loop3A_150], %parallel_loop3A_143 {strides = array<i32>} : memref<2x4096xf32, #tpu.memory_space<vmem>>, vector<16xf32>,
    } {sc.loop_unroll_factor = 8 : i64, sc.parallel_access}
    %dma_start3A_53 = arith.constant 0 : i32
    %dma_start3A_54 = arith.constant 0 : i32
    %dma_start3A_55 = tpu.memref_slice %arg10[%dma_start3A_53, %dma_start3A_54] : memref<2x4096xf32, #tpu.memory_space<vmem>> -> memref<1x4096xf32, #tpu.memory_space<vmem>>
    %dma_start3A_56 = tpu.memref_squeeze %dma_start3A_55 : memref<1x4096xf32, #tpu.memory_space<vmem>> -> memref<4096xf32, #tpu.memory_space<vmem>>
    %dma_start3A_57 = arith.constant 8192 : i32
    %dma_start3A_58 = tpu.memref_slice %arg7[%add3A, %dma_start3A_57] : memref<32x16384xf32, #tpu.memory_space<hbm>> -> memref<1x4096xf32, #tpu.memory_space<hbm>>
    %dma_start3A_59 = tpu.memref_squeeze %dma_start3A_58 : memref<1x4096xf32, #tpu.memory_space<hbm>> -> memref<4096xf32, #tpu.memory_space<hbm>>
    %dma_start3A_60 = arith.constant 8192 : i32
    %dma_start3A_61 = tpu.memref_slice %arg7[%add3A, %dma_start3A_60] : memref<32x16384xf32, #tpu.memory_space<hbm>> -> memref<1x4096xf32, #tpu.memory_space<hbm>>
    %dma_start3A_62 = tpu.memref_squeeze %dma_start3A_61 : memref<1x4096xf32, #tpu.memory_space<hbm>> -> memref<4096xf32, #tpu.memory_space<hbm>>
    %dma_start3A_63 = arith.constant 0 : i32
    %dma_start3A_64 = tpu.memref_slice %arg10[%dma_start3A_53, %dma_start3A_63] : memref<2x4096xf32, #tpu.memory_space<vmem>> -> memref<1x4096xf32, #tpu.memory_space<vmem>>
    %dma_start3A_65 = tpu.memref_squeeze %dma_start3A_64 : memref<1x4096xf32, #tpu.memory_space<vmem>> -> memref<4096xf32, #tpu.memory_space<vmem>>
    tpu.enqueue_dma source(%dma_start3A_65 : memref<4096xf32, #tpu.memory_space<vmem>>) target(%dma_start3A_62 : memref<4096xf32, #tpu.memory_space<hbm>>) target_semaphore(%arg12 : memref<!tpu.dma_semaphore, #tpu.memory_space<semaphore_mem>>)
    %dma_wait3A_66 = arith.constant 1 : i32
    %dma_wait3A_67 = arith.constant 0 : i32
    %dma_wait3A_68 = tpu.memref_slice %arg10[%dma_wait3A_66, %dma_wait3A_67] : memref<2x4096xf32, #tpu.memory_space<vmem>> -> memref<1x4096xf32, #tpu.memory_space<vmem>>
    %dma_wait3A_69 = tpu.memref_squeeze %dma_wait3A_68 : memref<1x4096xf32, #tpu.memory_space<vmem>> -> memref<4096xf32, #tpu.memory_space<vmem>>
    %dma_wait3A_70 = arith.constant 4096 : i32
    %dma_wait3A_71 = tpu.memref_slice %arg7[%add3A, %dma_wait3A_70] : memref<32x16384xf32, #tpu.memory_space<hbm>> -> memref<1x4096xf32, #tpu.memory_space<hbm>>
    %dma_wait3A_72 = tpu.memref_squeeze %dma_wait3A_71 : memref<1x4096xf32, #tpu.memory_space<hbm>> -> memref<4096xf32, #tpu.memory_space<hbm>>
    %dma_wait3A_73 = arith.constant 4096 : i32
    %dma_wait3A_74 = tpu.memref_slice %arg7[%add3A, %dma_wait3A_73] : memref<32x16384xf32, #tpu.memory_space<hbm>> -> memref<1x4096xf32, #tpu.memory_space<hbm>>
    %dma_wait3A_75 = tpu.memref_squeeze %dma_wait3A_74 : memref<1x4096xf32, #tpu.memory_space<hbm>> -> memref<4096xf32, #tpu.memory_space<hbm>>
    %dma_wait3A_76 = arith.constant 0 : i32
    %dma_wait3A_77 = tpu.memref_slice %arg10[%dma_wait3A_66, %dma_wait3A_76] : memref<2x4096xf32, #tpu.memory_space<vmem>> -> memref<1x4096xf32, #tpu.memory_space<vmem>>
    %dma_wait3A_78 = tpu.memref_squeeze %dma_wait3A_77 : memref<1x4096xf32, #tpu.memory_space<vmem>> -> memref<4096xf32, #tpu.memory_space<vmem>>
    tpu.wait_dma2 semaphore(%arg13 : memref<!tpu.dma_semaphore, #tpu.memory_space<semaphore_mem>>) src(%dma_wait3A_78 : memref<4096xf32, #tpu.memory_space<vmem>>) dst(%dma_wait3A_75 : memref<4096xf32, #tpu.memory_space<hbm>>)
    %parallel_loop3A_79 = arith.constant 0 : i32
    %parallel_loop3A_80 = arith.constant 128 : i32
    %parallel_loop3A_81 = arith.constant 1 : i32
    scf.for %parallel_loop3A_121 = %parallel_loop3A_79 to %parallel_loop3A_80 step %parallel_loop3A_81  : i32 {
      %parallel_loop3A_122 = arith.constant 32 : i32
      %parallel_loop3A_123 = arith.muli %parallel_loop3A_121, %parallel_loop3A_122 : i32
      %parallel_loop3A_124 = arith.constant 12288 : i32
      %parallel_loop3A_125 = arith.addi %parallel_loop3A_124, %parallel_loop3A_123 : i32
      %parallel_loop3A_126 = arith.constant 32 : i32
      %parallel_loop3A_127 = arith.muli %parallel_loop3A_121, %parallel_loop3A_126 : i32
      %parallel_loop3A_128 = arith.constant 12288 : i32
      %parallel_loop3A_129 = arith.addi %parallel_loop3A_128, %parallel_loop3A_127 : i32
      %parallel_loop3A_130 = arith.constant 16 : i32
      %parallel_loop3A_131 = arith.addi %parallel_loop3A_129, %parallel_loop3A_130 : i32
      %parallel_loop3A_132 = arith.index_cast %parallel_loop3A_125 : i32 to index
      %parallel_loop3A_133 = tpu.vector_load %arg9[%parallel_loop3A_132] {strides = array<i32>} : memref<16384xi32, #tpu.memory_space<vmem>>, vector<16xi32>,
      %parallel_loop3A_134 = tpu.vector_load_idx %arg8[%parallel_loop3A_133] : memref<100000xf32, #tpu.memory_space<vmem>>[vector<16xi32>], vector<16xf32>,
      %parallel_loop3A_135 = arith.constant 32 : i32
      %parallel_loop3A_136 = arith.muli %parallel_loop3A_121, %parallel_loop3A_135 : i32
      %parallel_loop3A_137 = arith.constant 1 : i32
      %parallel_loop3A_138 = arith.index_cast %parallel_loop3A_137 : i32 to index
      %parallel_loop3A_139 = arith.index_cast %parallel_loop3A_136 : i32 to index
      %parallel_loop3A_140 = tpu.vector_load %arg10[%parallel_loop3A_138, %parallel_loop3A_139] {strides = array<i32>} : memref<2x4096xf32, #tpu.memory_space<vmem>>, vector<16xf32>,
      tpu.vector_store %arg10[%parallel_loop3A_138, %parallel_loop3A_139], %parallel_loop3A_134 {strides = array<i32>} : memref<2x4096xf32, #tpu.memory_space<vmem>>, vector<16xf32>,
      %parallel_loop3A_141 = arith.index_cast %parallel_loop3A_131 : i32 to index
      %parallel_loop3A_142 = tpu.vector_load %arg9[%parallel_loop3A_141] {strides = array<i32>} : memref<16384xi32, #tpu.memory_space<vmem>>, vector<16xi32>,
      %parallel_loop3A_143 = tpu.vector_load_idx %arg8[%parallel_loop3A_142] : memref<100000xf32, #tpu.memory_space<vmem>>[vector<16xi32>], vector<16xf32>,
      %parallel_loop3A_144 = arith.constant 32 : i32
      %parallel_loop3A_145 = arith.muli %parallel_loop3A_121, %parallel_loop3A_144 : i32
      %parallel_loop3A_146 = arith.constant 16 : i32
      %parallel_loop3A_147 = arith.addi %parallel_loop3A_145, %parallel_loop3A_146 : i32
      %parallel_loop3A_148 = arith.constant 1 : i32
      %parallel_loop3A_149 = arith.index_cast %parallel_loop3A_148 : i32 to index
      %parallel_loop3A_150 = arith.index_cast %parallel_loop3A_147 : i32 to index
      %parallel_loop3A_151 = tpu.vector_load %arg10[%parallel_loop3A_149, %parallel_loop3A_150] {strides = array<i32>} : memref<2x4096xf32, #tpu.memory_space<vmem>>, vector<16xf32>,
      tpu.vector_store %arg10[%parallel_loop3A_149, %parallel_loop3A_150], %parallel_loop3A_143 {strides = array<i32>} : memref<2x4096xf32, #tpu.memory_space<vmem>>, vector<16xf32>,
    } {sc.loop_unroll_factor = 8 : i64, sc.parallel_access}
    %dma_start3A_82 = arith.constant 1 : i32
    %dma_start3A_83 = arith.constant 0 : i32
    %dma_start3A_84 = tpu.memref_slice %arg10[%dma_start3A_82, %dma_start3A_83] : memref<2x4096xf32, #tpu.memory_space<vmem>> -> memref<1x4096xf32, #tpu.memory_space<vmem>>
    %dma_start3A_85 = tpu.memref_squeeze %dma_start3A_84 : memref<1x4096xf32, #tpu.memory_space<vmem>> -> memref<4096xf32, #tpu.memory_space<vmem>>
    %dma_start3A_86 = arith.constant 12288 : i32
    %dma_start3A_87 = tpu.memref_slice %arg7[%add3A, %dma_start3A_86] : memref<32x16384xf32, #tpu.memory_space<hbm>> -> memref<1x4096xf32, #tpu.memory_space<hbm>>
    %dma_start3A_88 = tpu.memref_squeeze %dma_start3A_87 : memref<1x4096xf32, #tpu.memory_space<hbm>> -> memref<4096xf32, #tpu.memory_space<hbm>>
    %dma_start3A_89 = arith.constant 12288 : i32
    %dma_start3A_90 = tpu.memref_slice %arg7[%add3A, %dma_start3A_89] : memref<32x16384xf32, #tpu.memory_space<hbm>> -> memref<1x4096xf32, #tpu.memory_space<hbm>>
    %dma_start3A_91 = tpu.memref_squeeze %dma_start3A_90 : memref<1x4096xf32, #tpu.memory_space<hbm>> -> memref<4096xf32, #tpu.memory_space<hbm>>
    %dma_start3A_92 = arith.constant 0 : i32
    %dma_start3A_93 = tpu.memref_slice %arg10[%dma_start3A_82, %dma_start3A_92] : memref<2x4096xf32, #tpu.memory_space<vmem>> -> memref<1x4096xf32, #tpu.memory_space<vmem>>
    %dma_start3A_94 = tpu.memref_squeeze %dma_start3A_93 : memref<1x4096xf32, #tpu.memory_space<vmem>> -> memref<4096xf32, #tpu.memory_space<vmem>>
    tpu.enqueue_dma source(%dma_start3A_94 : memref<4096xf32, #tpu.memory_space<vmem>>) target(%dma_start3A_91 : memref<4096xf32, #tpu.memory_space<hbm>>) target_semaphore(%arg13 : memref<!tpu.dma_semaphore, #tpu.memory_space<semaphore_mem>>)
    %dma_wait3A_95 = arith.constant 0 : i32
    %dma_wait3A_96 = arith.constant 0 : i32
    %dma_wait3A_97 = tpu.memref_slice %arg10[%dma_wait3A_95, %dma_wait3A_96] : memref<2x4096xf32, #tpu.memory_space<vmem>> -> memref<1x4096xf32, #tpu.memory_space<vmem>>
    %dma_wait3A_98 = tpu.memref_squeeze %dma_wait3A_97 : memref<1x4096xf32, #tpu.memory_space<vmem>> -> memref<4096xf32, #tpu.memory_space<vmem>>
    %dma_wait3A_99 = arith.constant 8192 : i32
    %dma_wait3A_100 = tpu.memref_slice %arg7[%add3A, %dma_wait3A_99] : memref<32x16384xf32, #tpu.memory_space<hbm>> -> memref<1x4096xf32, #tpu.memory_space<hbm>>
    %dma_wait3A_101 = tpu.memref_squeeze %dma_wait3A_100 : memref<1x4096xf32, #tpu.memory_space<hbm>> -> memref<4096xf32, #tpu.memory_space<hbm>>
    %dma_wait3A_102 = arith.constant 8192 : i32
    %dma_wait3A_103 = tpu.memref_slice %arg7[%add3A, %dma_wait3A_102] : memref<32x16384xf32, #tpu.memory_space<hbm>> -> memref<1x4096xf32, #tpu.memory_space<hbm>>
    %dma_wait3A_104 = tpu.memref_squeeze %dma_wait3A_103 : memref<1x4096xf32, #tpu.memory_space<hbm>> -> memref<4096xf32, #tpu.memory_space<hbm>>
    %dma_wait3A_105 = arith.constant 0 : i32
    %dma_wait3A_106 = tpu.memref_slice %arg10[%dma_wait3A_95, %dma_wait3A_105] : memref<2x4096xf32, #tpu.memory_space<vmem>> -> memref<1x4096xf32, #tpu.memory_space<vmem>>
    %dma_wait3A_107 = tpu.memref_squeeze %dma_wait3A_106 : memref<1x4096xf32, #tpu.memory_space<vmem>> -> memref<4096xf32, #tpu.memory_space<vmem>>
    tpu.wait_dma2 semaphore(%arg12 : memref<!tpu.dma_semaphore, #tpu.memory_space<semaphore_mem>>) src(%dma_wait3A_107 : memref<4096xf32, #tpu.memory_space<vmem>>) dst(%dma_wait3A_104 : memref<4096xf32, #tpu.memory_space<hbm>>)
    %dma_wait3A_108 = arith.constant 1 : i32
    %dma_wait3A_109 = arith.constant 0 : i32
    %dma_wait3A_110 = tpu.memref_slice %arg10[%dma_wait3A_108, %dma_wait3A_109] : memref<2x4096xf32, #tpu.memory_space<vmem>> -> memref<1x4096xf32, #tpu.memory_space<vmem>>
    %dma_wait3A_111 = tpu.memref_squeeze %dma_wait3A_110 : memref<1x4096xf32, #tpu.memory_space<vmem>> -> memref<4096xf32, #tpu.memory_space<vmem>>
    %dma_wait3A_112 = arith.constant 12288 : i32
    %dma_wait3A_113 = tpu.memref_slice %arg7[%add3A, %dma_wait3A_112] : memref<32x16384xf32, #tpu.memory_space<hbm>> -> memref<1x4096xf32, #tpu.memory_space<hbm>>
    %dma_wait3A_114 = tpu.memref_squeeze %dma_wait3A_113 : memref<1x4096xf32, #tpu.memory_space<hbm>> -> memref<4096xf32, #tpu.memory_space<hbm>>
    %dma_wait3A_115 = arith.constant 12288 : i32
    %dma_wait3A_116 = tpu.memref_slice %arg7[%add3A, %dma_wait3A_115] : memref<32x16384xf32, #tpu.memory_space<hbm>> -> memref<1x4096xf32, #tpu.memory_space<hbm>>
    %dma_wait3A_117 = tpu.memref_squeeze %dma_wait3A_116 : memref<1x4096xf32, #tpu.memory_space<hbm>> -> memref<4096xf32, #tpu.memory_space<hbm>>
    %dma_wait3A_118 = arith.constant 0 : i32
    %dma_wait3A_119 = tpu.memref_slice %arg10[%dma_wait3A_108, %dma_wait3A_118] : memref<2x4096xf32, #tpu.memory_space<vmem>> -> memref<1x4096xf32, #tpu.memory_space<vmem>>
    %dma_wait3A_120 = tpu.memref_squeeze %dma_wait3A_119 : memref<1x4096xf32, #tpu.memory_space<vmem>> -> memref<4096xf32, #tpu.memory_space<vmem>>
    tpu.wait_dma2 semaphore(%arg13 : memref<!tpu.dma_semaphore, #tpu.memory_space<semaphore_mem>>) src(%dma_wait3A_120 : memref<4096xf32, #tpu.memory_space<vmem>>) dst(%dma_wait3A_117 : memref<4096xf32, #tpu.memory_space<hbm>>)
    return
  }
}

</mosaic_0001>

<sc_bundles>
// kernel: kernel.3.cloned.1.call-start
scs
__scs_entry_jumppad:
0x0: {  	(pc) =	sbr.rel $0x88, $3  }
0x1: {  	(tag) =	ssettag $0x0;
	lr =	simm.s32 $0x1  }
0x2: {  	[smem:$0x3F9D] =	sst lr;
	_ =	strace $0xD0000000  }
0x3: {  	_ = 	snop  }
0x4: {  	_ = 	snop  }
0x5: {  	_ = 	snop  }
0x6: {  	_ = 	snop  }
0x7: {  	_ = 	snop  }
__scs_overlays_trampoline_lowered:
0x8: {  	[smem:$0x3FAC] =	sst s0  }
0x9: {  	[smem:$0x3FAD] =	sst s1  }
0xa: {  	[smem:$0x3FAE] =	sst s2  }
0xb: {  	[smem:$0x3FAF] =	sst s3  }
0xc: {  	[smem:$0x3FB0] =	sst s4  }
0xd: {  	[smem:$0x3FB1] =	sst s5  }
0xe: {  	[smem:$0x3FB2] =	sst s6  }
0xf: {  	[smem:$0x3FB3] =	sst s7  }
0x10: {  	[smem:$0x3FB4] =	sst s8  }
0x11: {  	[smem:$0x3FB5] =	sst s9;
	s0 =	simm.s32 @!p0 $0x0  }
0x12: {  	s1 =	sld [smem:$0x3F9B];
	s0 =	simm.s32 @p0 $0x1  }
0x13: {  	[smem:$0x3FB6] =	sst s0;
	s0 =	simm.s32 @!p1 $0x0  }
0x14: {  	s2 =	sld [smem:$0x3F9A];
	s0 =	simm.s32 @p1 $0x1  }
0x15: {  	[smem:$0x3FB7] =	sst s0;
	s0 =	simm.s32 @!p2 $0x0  }
0x16: {  	s3 =	sld [smem:$0x3FDB];
	s0 =	simm.s32 @p2 $0x1  }
0x17: {  	s4 =	simm.s32 $0x1BF5;
	[smem:$0x3FB9] =	sst s0  }
0x18: {  	s0 =	sld [smem:$0x3F9C];
	_ =	swait.ge [sflag:s4], $0x0  }
0x19: {  	s7 =	sld [smem:$0x3F9D]  }
0x1a: {  	s8 =	sadd.s32 $0xFFFFE003, lr  }
0x1b: {  	s9 =	sadd.s32 $0xFFFFFEF7, lr;
	s5 =	simm.s32 $0xFFFFFFFF;
	p2 =	slt.u32 s8, $0xFFFFF086  }
0x1c: {  	p1 =	slt.u32 s9, $0xF7A;
	s5 =	simm.s32 @!p2 $0x0  }
0x1d: {  	s5 =	simm.s32 @p1 $0x1;
	p0 =	seq.s32 s7, s2  }
0x1e: {  	s7 =	smul.u32 @!p0 $0xF7A, s2;
	p2 =	seq.s32 @!p0 s5, $0x0  }
0x1f: {  	s9 =	smul.u32 $0xF7A, s1;
	s8 =	simm.s32 @!p0 $0x1BF5;
	p2 =	por !p2, p0  }
0x20: {  	[sflag:s8] =	ssyncset.s32 @!p0 $0xFFFFF086;
	s6 =	sadd.s32 @!p0 s3, s7;
	s7 =	simm.s32 @!p0 $0x108  }
0x21: {  	s3 =	sadd.s32 s3, s9;
	s6 =	sadd.s32 @!p0 $0x88, s6;
	s7 =	simm.s32 @p2 $0x1082  }
0x22: {  	[simem:s7], [sflag:s8] =	dma.local @!p0 [hbm:s6], $0xF7A  }
0x23: {  	s9 =	sor.u32 $0xD0000000, s2;
	s6 =	simm.s32 $0x108;
	_ =	swait.ge @!p0 [sflag:s8], $0x0  }
0x24: {  	s3 =	sadd.s32 $0x88, s3;
	s6 =	simm.s32 @!p1 $0x1082;
	[sflag:s4] =	ssyncset.s32 $0xFFFFF086  }
0x25: {  	[simem:s6], [sflag:s4] =	dma.local [hbm:s3], $0xF7A  }
0x26: {  	[smem:$0x3F9D] =	sst s1;
	(tag) =	ssettag s2;
	_ =	strace s9  }
0x27: {  	s1 =	sld [smem:$0x3FAD]  }
0x28: {  	s2 =	sld [smem:$0x3FAE]  }
0x29: {  	s4 =	sld [smem:$0x3FB0]  }
0x2a: {  	p0 =	seq.s32 s5, $0x0;
	s5 =	sld [smem:$0x3FB1]  }
0x2b: {  	s6 =	sld [smem:$0x3FB2]  }
0x2c: {  	s7 =	sld [smem:$0x3FB3]  }
0x2d: {  	s3 =	simm.s32 $0x108;
	s8 =	sld [smem:$0x3FB4]  }
0x2e: {  	s3 =	simm.s32 @!p0 $0x1082;
	s9 =	sld [smem:$0x3FB5]  }
0x2f: {  	lr =	sadd.s32 s0, s3;
	s0 =	sld [smem:$0x3FAC]  }
0x30: {  	s3 =	sld [smem:$0x3FAF]  }
0x31: {  	[smem:$0x3FB8] =	sst s10  }
0x32: {  	s10 =	sld [smem:$0x3FB6];
	_ =	sdelay $0x3  }
0x33: {  	p0 =	seq.s32 s10, $0x1;
	s10 =	sld [smem:$0x3FB8];
	_ =	sdelay $0x3  }
0x34: {  	[smem:$0x3FB8] =	sst s10  }
0x35: {  	s10 =	sld [smem:$0x3FB7];
	_ =	sdelay $0x3  }
0x36: {  	p1 =	seq.s32 s10, $0x1;
	s10 =	sld [smem:$0x3FB8];
	_ =	sdelay $0x3  }
0x37: {  	[smem:$0x3FB8] =	sst s10  }
0x38: {  	s10 =	sld [smem:$0x3FB9]  }
0x39: {  	_ = 	snop;
	(pc) =	sbr.ind lr, $3  }
0x3a: {  	_ = 	snop  }
0x3b: {  	_ = 	snop  }
0x3c: {  	p2 =	seq.s32 s10, $0x1;
	s10 =	sld [smem:$0x3FB8]  }
0x3d: {  	_ =	shalt  }
0x3e: {  	_ =	shalt  }
0x3f: {  	_ =	shalt  }
0x40: {  	_ =	shalt  }
0x41: {  	_ =	shalt  }
0x42: {  	_ =	shalt  }
0x43: {  	_ =	shalt  }
0x44: {  	_ =	shalt  }
0x45: {  	_ =	shalt  }
0x46: {  	_ =	shalt  }
0x47: {  	_ =	shalt  }
0x48: {  	_ =	shalt  }
0x49: {  	_ =	shalt  }
0x4a: {  	_ =	shalt  }
0x4b: {  	_ =	shalt  }
0x4c: {  	_ =	shalt  }
0x4d: {  	_ =	shalt  }
0x4e: {  	_ =	shalt  }
0x4f: {  	_ =	shalt  }
0x50: {  	_ =	shalt  }
0x51: {  	_ =	shalt  }
0x52: {  	_ =	shalt  }
0x53: {  	_ =	shalt  }
0x54: {  	_ =	shalt  }
0x55: {  	_ =	shalt  }
0x56: {  	_ =	shalt  }
0x57: {  	_ =	shalt  }
0x58: {  	_ =	shalt  }
0x59: {  	_ =	shalt  }
0x5a: {  	_ =	shalt  }
0x5b: {  	_ =	shalt  }
0x5c: {  	_ =	shalt  }
0x5d: {  	_ =	shalt  }
0x5e: {  	_ =	shalt  }
0x5f: {  	_ =	shalt  }
0x60: {  	_ =	shalt  }
0x61: {  	_ =	shalt  }
0x62: {  	_ =	shalt  }
0x63: {  	_ =	shalt  }
0x64: {  	_ =	shalt  }
0x65: {  	_ =	shalt  }
0x66: {  	_ =	shalt  }
0x67: {  	_ =	shalt  }
0x68: {  	_ =	shalt  }
0x69: {  	_ =	shalt  }
0x6a: {  	_ =	shalt  }
0x6b: {  	_ =	shalt  }
0x6c: {  	_ =	shalt  }
0x6d: {  	_ =	shalt  }
0x6e: {  	_ =	shalt  }
0x6f: {  	_ =	shalt  }
0x70: {  	_ =	shalt  }
0x71: {  	_ =	shalt  }
0x72: {  	_ =	shalt  }
0x73: {  	_ =	shalt  }
0x74: {  	_ =	shalt  }
0x75: {  	_ =	shalt  }
0x76: {  	_ =	shalt  }
0x77: {  	_ =	shalt  }
0x78: {  	_ =	shalt  }
0x79: {  	_ =	shalt  }
0x7a: {  	_ =	shalt  }
0x7b: {  	_ =	shalt  }
0x7c: {  	_ =	shalt  }
0x7d: {  	_ =	shalt  }
0x7e: {  	_ =	shalt  }
0x7f: {  	_ =	shalt  }
0x80: {  	_ =	shalt  }
0x81: {  	_ =	shalt  }
0x82: {  	_ =	shalt  }
0x83: {  	_ =	shalt  }
0x84: {  	_ =	shalt  }
0x85: {  	_ =	shalt  }
0x86: {  	_ =	shalt  }
0x87: {  	_ =	shalt  }
.Lfunc_end0:
.L_simem_size_0:
called_computation_lowered:
.L_overlay_start_0:
0x88: {  	s2 =	sld [smem:$0x3FD9]  }
0x89: {  	s3 =	sld [smem:$0x3FFE];
	_ =	sdelay $0x1  }
0x8a: {  	s1 =	srdreg.scid  }
0x8b: {  	s0 =	sand.u32 $0x1, s1  }
0x8c: {  	s14 =	sshll.u32 s0, $0xA;
	s2 =	sadd.s32 s3, s2  }
0x8d: {  	s2 =	sadd.s32 s2, s14  }
0x8e: {  	[smem:$0x3FC4] =	sst s2  }
0x8f: {  	_ = 	snop  }
0x90: {  	s2 =	sld [smem:$0x3FD0]  }
0x91: {  	s15 =	sld [smem:$0x3FC9]  }
0x92: {  	s4 =	sld [smem:$0x3FC7]  }
0x93: {  	s6 =	simm.s32 $0xA;
	s7 =	simm.s32 $0x10;
	s5 =	sld [smem:$0x3FC6]  }
0x94: {  	[smem:s7], [sflag:s6] =	dma.local [hbm:s2], $0x1  }
0x95: {  	_ =	swait.eq [sflag:s6], $0x1  }
0x96: {  	[sflag:s6] =	ssyncset.done $0x0  }
0x97: {  	s16 =	sld [smem:$0x10];
	[sflag:s6] =	ssyncadd.s32 $0xFFFFFFFF  }
0x98: {  	s17 =	sld [smem:$0x11];
	(tm) =	ssettm $0x1  }
0x99: {  	s18 =	sld [smem:$0x3FFB];
	_ =	sdelay $0x3  }
0x9a: {  	_ =	strace s18  }
0x9b: {  	s7 =	sld [smem:$0x3FFC];
	_ =	sdelay $0x3  }
0x9c: {  	_ =	strace s7  }
0x9d: {  	s7 =	sld [smem:$0x3FFD];
	_ =	sdelay $0x3  }
0x9e: {  	_ =	strace s7  }
0x9f: {  	_ =	strace $0x8FFFFFFF  }
0xa0: {  	s19 =	sld [smem:$0x3FDB];
	_ =	sdelay $0x1  }
0xa1: {  	s8 =	simm.s32 $_scs_section_size  }
0xa2: {  	s9 =	simm.s32 $_size__tile_overlayer_lowered;
	s10 =	simm.s32 $_tile_overlayer_lowered  }
0xa3: {  	s22 =	simm.s32 $0x1BFF;
	s21 =	sshll.u32 s10, $0x1;
	s7 =	sadd.s32 s8, s19  }
0xa4: {  	s11 =	simm.s32 $0x0;
	s20 =	sshll.u32 s9, $0x1;
	s9 =	sadd.s32 s21, s7  }
0xa5: {  	[timem:s11], [sflag:s22] =	dma.local [hbm:s9], s20  }
0xa6: {  	_ =	swait.ge [sflag:s22], s20  }
0xa7: {  	s8 =	ssub.s32 $0x0, s20;
	[sflag:s22] =	ssyncset.done $0x0  }
0xa8: {  	[sflag:s22] =	ssyncadd.s32 s8;
	_ =	sdelay $0x1  }
0xa9: {  	s23 =	simm.s32 $0x1B8B  }
0xaa: {  	_ =	swait.ge [sflag:s23], $0x1  }
0xab: {  	[sflag:s23] =	ssyncset.done $0x0  }
0xac: {  	s25 =	simm.s32 $0x1B8E;
	s24 =	sld [smem:$0x3FFE];
	[sflag:s23] =	ssyncadd.s32 $0xFFFFFFFF  }
0xad: {  	s26 =	simm.s32 $execute0_lowered;
	[smem:$0x3FD2] =	sst s25  }
0xae: {  	s9 =	sshll.u32 s26, $0x1;
	_ =	strace $0x80000046;
	[dreg:$0x1] =	wrdreg $0xFFFFFFFF  }
0xaf: {  	s28 =	simm.s32 $_size_execute0_lowered;
	s7 =	sadd.s32 s7, s9;
	[dreg:$0x0] =	wrdreg $0x0  }
0xb0: {  	s9 =	sshll.u32 s28, $0x1;
	[dreg:$0x2] =	wrdreg s7  }
0xb1: {  	[dreg:$0x3] =	wrdreg s9  }
0xb2: {  	[dreg:$0x4] =	wrdreg $0xC0  }
0xb3: {  	_ =	task [dreg:s11], $0x5FFFF  }
0xb4: {  	[dreg:$0x1] =	wrdreg $0xFFFFFFFF  }
0xb5: {  	[dreg:$0x0] =	wrdreg $0x60  }
0xb6: {  	[dreg:$0x2] =	wrdreg s15  }
0xb7: {  	[dreg:$0x3] =	wrdreg s4  }
0xb8: {  	[dreg:$0x4] =	wrdreg s5  }
0xb9: {  	[dreg:$0x5] =	wrdreg s24  }
0xba: {  	[dreg:$0x6] =	wrdreg s16  }
0xbb: {  	[dreg:$0x7] =	wrdreg s17  }
0xbc: {  	[dreg:$0x8] =	wrdreg $0x9  }
0xbd: {  	_ =	task.clear_ibuf [dreg:s11], $0x9FFFF;
	_ =	strace $0x90000046  }
0xbe: {  	s29 =	simm.s32 $0x9;
	_ =	strace $0x80000048  }
0xbf: {  	_ =	swait.ge [sflag:s29], $0x1  }
0xc0: {  	[sflag:s29] =	ssyncadd.s32 $0xFFFFFFFF  }
0xc1: {  	_ =	strace $0x90000048  }
0xc2: {  	_ =	sfence  }
0xc3: {  	s30 =	sld [smem:$0x0];
	_ =	sdelay $0x2  }
0xc4: {  	s31 =	sshll.u32 s1, $0xD;
	s1 =	sshrl.u32 s1, $0x2  }
0xc5: {  	s3 =	sand.u32 $0x4000, s31;
	s1 =	sadd.s32 s1, s30  }
0xc6: {  	s0 =	sor.u32 s3, s0;
	s1 =	sshll.u32 s1, $0x11  }
0xc7: {  	s0 =	sor.u32 s1, s0  }
0xc8: {  	s0 =	sadd.s32 $0x8F2B, s0  }
0xc9: {  	[sflag:s0] =	ssyncadd.remote.s32 $0x1  }
0xca: {  	_ =	sfence.sel $0xFFFF  }
0xcb: {  	[dreg:$0x0] =	wrdreg $0xFFFFFFFF;
	(pc) =	sbr.abs _section_cstart, $3  }
0xcc: {  	[dreg:$0x1] =	wrdreg $0xFFFFFFFF  }
0xcd: {  	_ =	task.clear_ibuf [dreg:s11], $0x2FFFF;
	_ =	strace $0x9FFFFFFF  }
0xce: {  	(tm) =	ssettm $0x7FFFFFFF  }
0xcf: {  	_ =	shalt  }
tec
execute0_lowered:
.L_overlay_start_1:
0x0: {  	(tag) =	ssettag $0x1  }
0x1: {  	s1 =	rddreg [dreg:$0x0]  }
0x2: {  	s2 =	rddreg [dreg:$0x1]  }
0x3: {  	s3 =	rddreg [dreg:$0x2]  }
0x4: {  	s0 =	rddreg [dreg:$0x3]  }
0x5: {  	s4 =	rddreg [dreg:$0x4]  }
0x6: {  	s5 =	rddreg [dreg:$0x5];
	s6 =	simm.s32 $0x0  }
0x7: {  	s7 =	srdreg.scid;
	s10 =	stileid.u32;
	s18 =	simm.s32 $0x80  }
0x8: {  	s19 =	simm.s32 $0x400;
	s20 =	simm.s32 $0x18700;
	s21 =	simm.s32 $0x3  }
0x9: {  	s22 =	simm.s32 $0x1;
	s23 =	simm.s32 $0x2;
	s24 =	simm.s32 $0x1E700  }
0xa: {  	s25 =	simm.s32 $0x0;
	[smem:$0x7FF] =	sst s6;
	s8 =	sand.u32 $0x1, s7  }
0xb: {  	s9 =	sshll.u32 s10, $0x1;
	s7 =	sadd.s32 $0x800, s0;
	s10 =	sshrl.u32 s10, $0x2  }
0xc: {  	_ =	strace $0x80000047;
	s29 =	ssub.s32 $0x2, s8;
	s8 =	sor.u32 s8, s9  }
0xd: {  	s31 =	sshll.u32 s10, $0x11;
	s13 =	smul.u32 $0xC3800, s10;
	s11 =	sshll.u32 s8, $0x7  }
0xe: {  	s9 =	sadd.s32 $0x1000, s4;
	s10 =	sadd.s32 $0x2000, s4;
	s12 =	sand.u32 $0x380, s11  }
0xf: {  	s30 =	sshrl.u32 s29, $0x1;
	s8 =	smul.u32 $0x1A, s8;
	s11 =	sor.u32 s31, s12  }
0x10: {  	s0 =	ssub.s32 s29, s30;
	s12 =	sor.u32 s12, s13;
	s14 =	sshrl.u32 s11, $0x3  }
0x11: {  	s17 =	smax.u32 s0, $0x1;
	s11 =	sadd.s32 $0x3000, s4;
	s13 =	sadd.s32 s5, s14  }
0x12: {  	s14 =	sadd.s32 $0x1000, s13;
	s15 =	sadd.s32 $0x2000, s13;
	s16 =	sadd.s32 $0x3000, s13  }
.LBB2_1:
0x13: {  	s26 =	simm.s32 $0x0  }
.LBB2_2:
0x14: {  	s28 =	sadd.s32 s8, s26  }
0x15: {  	p0 =	seq.s32 s26, $0x0;
	s0 =	sand.u32 $0x1F, s28  }
0x16: {  	p1 =	sne.s32 @!p0 s0, $0x0  }
0x17: {  	s29 =	sshrl.u32 s28, $0x5;
	p0 =	por p0, !p1  }
0x18: {  	s5 =	sshll.u32 @p0 s29, $0x4  }
0x19: {  	s30 =	sshll.u32 @p0 s29, $0xB;
	s5 =	sand.u32 @p0 $0x70, s5  }
0x1a: {  	s30 =	sand.u32 @p0 $0xFFFC000, s30;
	s5 =	sadd.s32 @p0 s1, s5  }
0x1b: {  	s5 =	sadd.s32 @p0 s30, s5  }
0x1c: {  	[tilespmem:s20], [sflag:$0x3] =	stream.strided.gather @p0 [hbm4b:s5+s18], $0x4000, s19, s18, $0x38;
	[tilespmem:$0x1E780] =	vst v63  }
0x1d: {  	s5 =	smul.u32 $0x30E000, s29;
	s29 =	sshrl.u32 s0, $0x3  }
0x1e: {  	s29 =	smul.u32 $0xC3800, s29  }
0x1f: {  	s0 =	sshll.u32 s0, $0x7  }
0x20: {  	s0 =	sand.u32 $0x380, s0;
	s5 =	sadd.s32 s5, s29  }
0x21: {  	_ =	swait.ge @p0 [sflag:s21], $0x4000;
	s0 =	sor.u32 s0, s5  }
0x22: {  	[sflag:s21] =	ssyncset.done @p0 $0x0;
	s0 =	sshrl.u32 s0, $0x3  }
0x23: {  	[sflag:s21] =	ssyncadd.s32 @p0 $0xFFFFC000;
	s0 =	sadd.s32 s3, s0  }
0x24: {  	[tilespmem:s6], [sflag:$0x3] =	stream.strided.gather [hbm4b:s0+s18], $0x18700, s19, s18, $0x38;
	[tilespmem:$0x1E780] =	vst v63  }
0x25: {  	_ =	swait.ge [sflag:s21], $0x18700  }
0x26: {  	[sflag:s21] =	ssyncset.done $0x0  }
0x27: {  	s5 =	simm.s32 $0x18780;
	[sflag:s21] =	ssyncadd.s32 $0xFFFE7900  }
0x28: {  	v0 =	vld [tilespmem:s5+$0x60]  }
0x29: {  	v1 =	vld [tilespmem:s5+$0xFFFFFFA0]  }
0x2a: {  	v2 =	vld [tilespmem:s5+$0xFFFFFFC0]  }
0x2b: {  	v3 =	vld [tilespmem:s5+$0xFFFFFFE0]  }
0x2c: {  	v4 =	vld [tilespmem:s5+$0x0]  }
0x2d: {  	v5 =	vld [tilespmem:s5+$0x20]  }
0x2e: {  	v6 =	vld [tilespmem:s5+$0x40]  }
0x2f: {  	v7 =	vld [tilespmem:s5+$0xFFFFFF80]  }
0x30: {  	v0 =	vld.idx.msk [tilespmem:v0+s6+$0x0], $0xffff  }
0x31: {  	v1 =	vld.idx.msk [tilespmem:v1+s6+$0x0], $0xffff  }
0x32: {  	v2 =	vld.idx.msk [tilespmem:v2+s6+$0x0], $0xffff  }
0x33: {  	v3 =	vld.idx.msk [tilespmem:v3+s6+$0x0], $0xffff  }
0x34: {  	v4 =	vld.idx.msk [tilespmem:v4+s6+$0x0], $0xffff  }
0x35: {  	s29 =	simm.s32 $0x1C800;
	v5 =	vld.idx.msk [tilespmem:v5+s6+$0x0], $0xffff  }
0x36: {  	v6 =	vld.idx.msk [tilespmem:v6+s6+$0x0], $0xffff;
	[tilespmem:s29+$0x60] =	vst v0  }
0x37: {  	v0 =	vld [tilespmem:s5+$0x70]  }
0x38: {  	[tilespmem:s29+$0xFFFFFF20] =	vst v1;
	v1 =	vld.idx.msk [tilespmem:v7+s6+$0x0], $0xffff  }
0x39: {  	[tilespmem:s29+$0xFFFFFF40] =	vst v2;
	v2 =	vld [tilespmem:s5+$0xFFFFFFB0]  }
0x3a: {  	[tilespmem:s29+$0xFFFFFF60] =	vst v3;
	v3 =	vld [tilespmem:s5+$0xFFFFFFD0]  }
0x3b: {  	[tilespmem:s29+$0x0] =	vst v4;
	v4 =	vld [tilespmem:s5+$0xFFFFFFF0]  }
0x3c: {  	[tilespmem:s29+$0x20] =	vst v5;
	v7 =	vld [tilespmem:s5+$0x10]  }
0x3d: {  	[tilespmem:s29+$0x40] =	vst v6;
	v8 =	vld [tilespmem:s5+$0x30]  }
0x3e: {  	v9 =	vld [tilespmem:s5+$0x50]  }
0x3f: {  	[tilespmem:s29+$0xFFFFFF00] =	vst v1;
	v1 =	vld.idx.msk [tilespmem:v0+s6+$0x0], $0xffff  }
0x40: {  	v0 =	vld [tilespmem:s5+$0xFFFFFF90]  }
0x41: {  	v6 =	vld.idx.msk [tilespmem:v2+s6+$0x0], $0xffff  }
0x42: {  	v5 =	vld.idx.msk [tilespmem:v3+s6+$0x0], $0xffff  }
0x43: {  	v4 =	vld.idx.msk [tilespmem:v4+s6+$0x0], $0xffff  }
0x44: {  	v3 =	vld.idx.msk [tilespmem:v7+s6+$0x0], $0xffff  }
0x45: {  	v2 =	vld.idx.msk [tilespmem:v8+s6+$0x0], $0xffff  }
0x46: {  	s31 =	simm.s32 $0x0;
	s30 =	simm.s32 $0x1C800;
	s0 =	simm.s32 $0x18880;
	[tilespmem:s29+$0x70] =	vst v1;
	v1 =	vld.idx.msk [tilespmem:v9+s6+$0x0], $0xffff  }
.LBB2_3:
0x47: {  	v7 =	vld [tilespmem:s0+$0x60];
	s31 =	sadd.s32 $0x8, s31;
	[tilespmem:s29+$0xFFFFFF30] =	vst v6  }
0x48: {  	v6 =	vld [tilespmem:s0+$0xFFFFFFA0];
	p0 =	slt.u32 s31, $0x78;
	[tilespmem:s29+$0xFFFFFF50] =	vst v5  }
0x49: {  	v5 =	vld [tilespmem:s0+$0xFFFFFFC0];
	[tilespmem:s29+$0xFFFFFF70] =	vst v4  }
0x4a: {  	v4 =	vld [tilespmem:s0+$0xFFFFFFE0];
	[tilespmem:s29+$0x10] =	vst v3  }
0x4b: {  	v3 =	vld [tilespmem:s0+$0x0];
	[tilespmem:s29+$0x30] =	vst v2  }
0x4c: {  	v2 =	vld [tilespmem:s0+$0x20];
	[tilespmem:s29+$0x50] =	vst v1  }
0x4d: {  	v1 =	vld [tilespmem:s0+$0x40]  }
0x4e: {  	v8 =	vld [tilespmem:s0+$0xFFFFFF80]  }
0x4f: {  	v7 =	vld.idx.msk [tilespmem:v7+s6+$0x0], $0xffff  }
0x50: {  	v6 =	vld.idx.msk [tilespmem:v6+s6+$0x0], $0xffff  }
0x51: {  	v5 =	vld.idx.msk [tilespmem:v5+s6+$0x0], $0xffff  }
0x52: {  	v4 =	vld.idx.msk [tilespmem:v4+s6+$0x0], $0xffff  }
0x53: {  	v3 =	vld.idx.msk [tilespmem:v3+s6+$0x0], $0xffff  }
0x54: {  	s29 =	sadd.s32 $0x200, s29;
	v2 =	vld.idx.msk [tilespmem:v2+s6+$0x0], $0xffff  }
0x55: {  	v1 =	vld.idx.msk [tilespmem:v1+s6+$0x0], $0xffff;
	[tilespmem:s29+$0x60] =	vst v7  }
0x56: {  	[tilespmem:s29+$0xFFFFFF20] =	vst v6;
	v6 =	vld [tilespmem:s0+$0x70]  }
0x57: {  	v7 =	vld.idx.msk [tilespmem:v8+s6+$0x0], $0xffff;
	[tilespmem:s29+$0xFFFFFF40] =	vst v5  }
0x58: {  	v5 =	vld [tilespmem:s0+$0xFFFFFFB0];
	[tilespmem:s29+$0xFFFFFF60] =	vst v4  }
0x59: {  	v4 =	vld [tilespmem:s0+$0xFFFFFFD0];
	[tilespmem:s29+$0x0] =	vst v3  }
0x5a: {  	v3 =	vld [tilespmem:s0+$0xFFFFFFF0];
	[tilespmem:s29+$0x20] =	vst v2  }
0x5b: {  	v2 =	vld [tilespmem:s0+$0x10];
	[tilespmem:s29+$0x40] =	vst v1  }
0x5c: {  	v1 =	vld [tilespmem:s0+$0x30]  }
0x5d: {  	[tilespmem:s29+$0xFFFFFF00] =	vst v7;
	v7 =	vld [tilespmem:s0+$0x50]  }
0x5e: {  	v8 =	vld.idx.msk [tilespmem:v6+s6+$0x0], $0xffff  }
0x5f: {  	v9 =	vld [tilespmem:s0+$0xFFFFFF90]  }
0x60: {  	v10 =	vld.idx.msk [tilespmem:v0+s6+$0x0], $0xffff  }
0x61: {  	v6 =	vld.idx.msk [tilespmem:v5+s6+$0x0], $0xffff  }
.Ltmp0:
0x62: {  	v5 =	vld.idx.msk [tilespmem:v4+s6+$0x0], $0xffff;
	(pc) =	sbr.rel @p0 .LBB2_3-.Ltmp0, $4  }
0x63: {  	v4 =	vld.idx.msk [tilespmem:v3+s6+$0x0], $0xffff  }
0x64: {  	v3 =	vld.idx.msk [tilespmem:v2+s6+$0x0], $0xffff;
	[tilespmem:s29+$0x70] =	vst v8;
	v0 =	vmov v9  }
0x65: {  	v2 =	vld.idx.msk [tilespmem:v1+s6+$0x0], $0xffff  }
0x66: {  	s0 =	sadd.s32 $0x100, s0;
	v1 =	vld.idx.msk [tilespmem:v7+s6+$0x0], $0xffff;
	[tilespmem:s30+$0xFFFFFF10] =	vst v10;
	s30 =	smov.u32 s29  }
0x67: {  	_ =	sdelay $0x2  }
0x68: {  	[tilespmem:s29+$0xFFFFFF30] =	vst v6  }
0x69: {  	[tilespmem:s29+$0xFFFFFF50] =	vst v5;
	v0 =	vld.idx.msk [tilespmem:v0+s6+$0x0], $0xffff  }
0x6a: {  	[tilespmem:s29+$0xFFFFFF70] =	vst v4  }
0x6b: {  	s0 =	sshll.u32 s28, $0xB;
	s5 =	sshll.u32 s28, $0x4;
	[tilespmem:s29+$0x10] =	vst v3  }
0x6c: {  	s0 =	sand.u32 $0xFFFC000, s0;
	s5 =	sand.u32 $0x70, s5;
	[tilespmem:s29+$0x30] =	vst v2  }
0x6d: {  	s28 =	sor.u32 s5, s0;
	[tilespmem:s29+$0x50] =	vst v1  }
0x6e: {  	s5 =	simm.s32 $0x0;
	s0 =	sadd.s32 s4, s28;
	s29 =	simm.s32 $0x1C700;
	[tilespmem:s30+$0xFFFFFF10] =	vst v0  }
.LBB2_5:
0x6f: {  	p0 =	sne.s32 s5, $0xF80  }
.Ltmp1:
0x70: {  	_ = 	snop;
	(pc) =	sbr.rel @p0 .LBB2_5-.Ltmp1, $4  }
0x71: {  	_ = 	snop  }
0x72: {  	s30 =	sadd.s32 s5, s0  }
0x73: {  	[hbm4b:s30+s6] =	stream.linear.scatter [tilespmem:s29], [sflag:$0x1], $0x80, $0x38;
	[tilespmem:$0x1E780] =	vst v63  }
0x74: {  	s5 =	sadd.s32 $0x80, s5;
	s29 =	sadd.s32 $0x100, s29  }
0x75: {  	s0 =	simm.s32 $0x197F0  }
0x76: {  	v0 =	vld [tilespmem:s0+$0xFFFFFFF0]  }
0x77: {  	v1 =	vld [tilespmem:s0+$0xFFFFFF30]  }
0x78: {  	v2 =	vld [tilespmem:s0+$0xFFFFFF50]  }
0x79: {  	v3 =	vld [tilespmem:s0+$0xFFFFFF70]  }
0x7a: {  	v4 =	vld [tilespmem:s0+$0xFFFFFF90]  }
0x7b: {  	v5 =	vld [tilespmem:s0+$0xFFFFFFB0]  }
0x7c: {  	v6 =	vld [tilespmem:s0+$0xFFFFFFD0]  }
0x7d: {  	v7 =	vld [tilespmem:s0+$0xFFFFFF10]  }
0x7e: {  	v0 =	vld.idx.msk [tilespmem:v0+s6+$0x0], $0xffff  }
0x7f: {  	v1 =	vld.idx.msk [tilespmem:v1+s6+$0x0], $0xffff  }
0x80: {  	v2 =	vld.idx.msk [tilespmem:v2+s6+$0x0], $0xffff  }
0x81: {  	v3 =	vld.idx.msk [tilespmem:v3+s6+$0x0], $0xffff  }
0x82: {  	v4 =	vld.idx.msk [tilespmem:v4+s6+$0x0], $0xffff  }
0x83: {  	s29 =	simm.s32 $0x1C880;
	v5 =	vld.idx.msk [tilespmem:v5+s6+$0x0], $0xffff  }
0x84: {  	v6 =	vld.idx.msk [tilespmem:v6+s6+$0x0], $0xffff;
	[tilespmem:s29+$0x60] =	vst v0  }
0x85: {  	v0 =	vld [tilespmem:s0+$0x0]  }
0x86: {  	[tilespmem:s29+$0xFFFFFF20] =	vst v1;
	v1 =	vld.idx.msk [tilespmem:v7+s6+$0x0], $0xffff  }
0x87: {  	[tilespmem:s29+$0xFFFFFF40] =	vst v2;
	v2 =	vld [tilespmem:s0+$0xFFFFFF40]  }
0x88: {  	[tilespmem:s29+$0xFFFFFF60] =	vst v3;
	v3 =	vld [tilespmem:s0+$0xFFFFFF60]  }
0x89: {  	[tilespmem:s29+$0x0] =	vst v4;
	v4 =	vld [tilespmem:s0+$0xFFFFFF80]  }
0x8a: {  	[tilespmem:s29+$0x20] =	vst v5;
	v7 =	vld [tilespmem:s0+$0xFFFFFFA0]  }
0x8b: {  	[tilespmem:s29+$0x40] =	vst v6;
	v8 =	vld [tilespmem:s0+$0xFFFFFFC0]  }
0x8c: {  	v9 =	vld [tilespmem:s0+$0xFFFFFFE0]  }
0x8d: {  	[tilespmem:s29+$0xFFFFFF00] =	vst v1;
	v10 =	vld.idx.msk [tilespmem:v0+s6+$0x0], $0xffff  }
0x8e: {  	v0 =	vld [tilespmem:s0+$0xFFFFFF20]  }
0x8f: {  	v6 =	vld.idx.msk [tilespmem:v2+s6+$0x0], $0xffff  }
0x90: {  	v5 =	vld.idx.msk [tilespmem:v3+s6+$0x0], $0xffff  }
0x91: {  	v2 =	vld.idx.msk [tilespmem:v4+s6+$0x0], $0xffff  }
0x92: {  	v1 =	vld.idx.msk [tilespmem:v7+s6+$0x0], $0xffff  }
0x93: {  	v3 =	vld.idx.msk [tilespmem:v8+s6+$0x0], $0xffff  }
0x94: {  	s31 =	simm.s32 $0x0;
	s30 =	simm.s32 $0x1C880;
	v4 =	vld.idx.msk [tilespmem:v9+s6+$0x0], $0xffff;
	s0 =	simm.s32 $0x198F0;
	[tilespmem:s29+$0x70] =	vst v10  }
.LBB2_7:
0x95: {  	v7 =	vld [tilespmem:s0+$0xFFFFFFF0];
	s31 =	sadd.s32 $0x8, s31;
	[tilespmem:s29+$0xFFFFFF30] =	vst v6  }
0x96: {  	v6 =	vld [tilespmem:s0+$0xFFFFFF30];
	p0 =	slt.u32 s31, $0x78;
	[tilespmem:s29+$0xFFFFFF50] =	vst v5  }
0x97: {  	v5 =	vld [tilespmem:s0+$0xFFFFFF50];
	[tilespmem:s29+$0xFFFFFF70] =	vst v2  }
0x98: {  	v2 =	vld [tilespmem:s0+$0xFFFFFF70];
	[tilespmem:s29+$0x10] =	vst v1  }
0x99: {  	v1 =	vld [tilespmem:s0+$0xFFFFFF90];
	[tilespmem:s29+$0x30] =	vst v3  }
0x9a: {  	v3 =	vld [tilespmem:s0+$0xFFFFFFB0];
	[tilespmem:s29+$0x50] =	vst v4  }
0x9b: {  	v4 =	vld [tilespmem:s0+$0xFFFFFFD0]  }
0x9c: {  	v8 =	vld [tilespmem:s0+$0xFFFFFF10]  }
0x9d: {  	v7 =	vld.idx.msk [tilespmem:v7+s6+$0x0], $0xffff  }
0x9e: {  	v6 =	vld.idx.msk [tilespmem:v6+s6+$0x0], $0xffff  }
0x9f: {  	v5 =	vld.idx.msk [tilespmem:v5+s6+$0x0], $0xffff  }
0xa0: {  	v2 =	vld.idx.msk [tilespmem:v2+s6+$0x0], $0xffff  }
0xa1: {  	v1 =	vld.idx.msk [tilespmem:v1+s6+$0x0], $0xffff  }
0xa2: {  	s29 =	sadd.s32 $0x200, s29;
	v3 =	vld.idx.msk [tilespmem:v3+s6+$0x0], $0xffff  }
0xa3: {  	v4 =	vld.idx.msk [tilespmem:v4+s6+$0x0], $0xffff;
	[tilespmem:s29+$0x60] =	vst v7  }
0xa4: {  	[tilespmem:s29+$0xFFFFFF20] =	vst v6;
	v6 =	vld [tilespmem:s0+$0x0]  }
0xa5: {  	v7 =	vld.idx.msk [tilespmem:v8+s6+$0x0], $0xffff;
	[tilespmem:s29+$0xFFFFFF40] =	vst v5  }
0xa6: {  	v5 =	vld [tilespmem:s0+$0xFFFFFF40];
	[tilespmem:s29+$0xFFFFFF60] =	vst v2  }
0xa7: {  	v2 =	vld [tilespmem:s0+$0xFFFFFF60];
	[tilespmem:s29+$0x0] =	vst v1  }
0xa8: {  	v1 =	vld [tilespmem:s0+$0xFFFFFF80];
	[tilespmem:s29+$0x20] =	vst v3  }
0xa9: {  	v3 =	vld [tilespmem:s0+$0xFFFFFFA0];
	[tilespmem:s29+$0x40] =	vst v4  }
0xaa: {  	v4 =	vld [tilespmem:s0+$0xFFFFFFC0]  }
0xab: {  	[tilespmem:s29+$0xFFFFFF00] =	vst v7;
	v7 =	vld [tilespmem:s0+$0xFFFFFFE0]  }
0xac: {  	v8 =	vld.idx.msk [tilespmem:v6+s6+$0x0], $0xffff  }
0xad: {  	v9 =	vld [tilespmem:s0+$0xFFFFFF20]  }
0xae: {  	v10 =	vld.idx.msk [tilespmem:v0+s6+$0x0], $0xffff  }
0xaf: {  	v6 =	vld.idx.msk [tilespmem:v5+s6+$0x0], $0xffff  }
.Ltmp2:
0xb0: {  	v5 =	vld.idx.msk [tilespmem:v2+s6+$0x0], $0xffff;
	(pc) =	sbr.rel @p0 .LBB2_7-.Ltmp2, $4  }
0xb1: {  	v2 =	vld.idx.msk [tilespmem:v1+s6+$0x0], $0xffff  }
0xb2: {  	v1 =	vld.idx.msk [tilespmem:v3+s6+$0x0], $0xffff;
	[tilespmem:s29+$0x70] =	vst v8;
	v0 =	vmov v9  }
0xb3: {  	v3 =	vld.idx.msk [tilespmem:v4+s6+$0x0], $0xffff  }
0xb4: {  	s0 =	sadd.s32 $0x100, s0;
	v4 =	vld.idx.msk [tilespmem:v7+s6+$0x0], $0xffff;
	[tilespmem:s30+$0xFFFFFF10] =	vst v10;
	s30 =	smov.u32 s29  }
0xb5: {  	_ =	sdelay $0x2  }
0xb6: {  	[tilespmem:s29+$0xFFFFFF30] =	vst v6  }
0xb7: {  	[tilespmem:s29+$0xFFFFFF50] =	vst v5;
	v0 =	vld.idx.msk [tilespmem:v0+s6+$0x0], $0xffff  }
0xb8: {  	[tilespmem:s29+$0xFFFFFF70] =	vst v2  }
0xb9: {  	[tilespmem:s29+$0x10] =	vst v1  }
0xba: {  	[tilespmem:s29+$0x30] =	vst v3  }
0xbb: {  	s0 =	sadd.s32 s28, s9;
	s31 =	simm.s32 $0x1C880;
	[tilespmem:s29+$0x50] =	vst v4  }
0xbc: {  	s5 =	sadd.s32 $0x0, s0;
	s29 =	simm.s32 $0x1C780;
	[tilespmem:s30+$0xFFFFFF10] =	vst v0;
	s30 =	simm.s32 $0x80  }
.LBB2_9:
0xbd: {  	[hbm4b:s5+s6] =	stream.linear.scatter [tilespmem:s29], [sflag:$0x2], $0x80, $0x38;
	[tilespmem:$0x1E780] =	vst v63  }
0xbe: {  	s5 =	smov.u32 s30;
	s29 =	smov.u32 s31;
	p0 =	sne.s32 s30, $0xF80  }
.Ltmp3:
0xbf: {  	s30 =	sadd.s32 $0x80, s30;
	(pc) =	sbr.rel @p0 .LBB2_9-.Ltmp3, $2  }
0xc0: {  	_ =	sdelay $0x2  }
0xc1: {  	s31 =	sadd.s32 $0x100, s31;
	s5 =	sadd.s32 s5, s0  }
0xc2: {  	[hbm4b:s5+s6] =	stream.linear.scatter [tilespmem:s29], [sflag:$0x2], $0x80, $0x38;
	[tilespmem:$0x1E780] =	vst v63  }
0xc3: {  	_ =	swait.ge [sflag:s22], $0x1000  }
0xc4: {  	[sflag:s22] =	ssyncset.done $0x0  }
0xc5: {  	s0 =	simm.s32 $0x1A7F0;
	[sflag:s22] =	ssyncadd.s32 $0xFFFFF000  }
0xc6: {  	v0 =	vld [tilespmem:s0+$0xFFFFFFF0]  }
0xc7: {  	v1 =	vld [tilespmem:s0+$0xFFFFFF30]  }
0xc8: {  	v2 =	vld [tilespmem:s0+$0xFFFFFF50]  }
0xc9: {  	v3 =	vld [tilespmem:s0+$0xFFFFFF70]  }
0xca: {  	v4 =	vld [tilespmem:s0+$0xFFFFFF90]  }
0xcb: {  	v5 =	vld [tilespmem:s0+$0xFFFFFFB0]  }
0xcc: {  	v6 =	vld [tilespmem:s0+$0xFFFFFFD0]  }
0xcd: {  	v7 =	vld [tilespmem:s0+$0xFFFFFF10]  }
0xce: {  	v0 =	vld.idx.msk [tilespmem:v0+s6+$0x0], $0xffff  }
0xcf: {  	v1 =	vld.idx.msk [tilespmem:v1+s6+$0x0], $0xffff  }
0xd0: {  	v2 =	vld.idx.msk [tilespmem:v2+s6+$0x0], $0xffff  }
0xd1: {  	v3 =	vld.idx.msk [tilespmem:v3+s6+$0x0], $0xffff  }
0xd2: {  	v4 =	vld.idx.msk [tilespmem:v4+s6+$0x0], $0xffff  }
0xd3: {  	s29 =	simm.s32 $0x1C800;
	v5 =	vld.idx.msk [tilespmem:v5+s6+$0x0], $0xffff  }
0xd4: {  	v6 =	vld.idx.msk [tilespmem:v6+s6+$0x0], $0xffff;
	[tilespmem:s29+$0x60] =	vst v0  }
0xd5: {  	v0 =	vld [tilespmem:s0+$0x0]  }
0xd6: {  	[tilespmem:s29+$0xFFFFFF20] =	vst v1;
	v1 =	vld.idx.msk [tilespmem:v7+s6+$0x0], $0xffff  }
0xd7: {  	[tilespmem:s29+$0xFFFFFF40] =	vst v2;
	v2 =	vld [tilespmem:s0+$0xFFFFFF40]  }
0xd8: {  	[tilespmem:s29+$0xFFFFFF60] =	vst v3;
	v3 =	vld [tilespmem:s0+$0xFFFFFF60]  }
0xd9: {  	[tilespmem:s29+$0x0] =	vst v4;
	v4 =	vld [tilespmem:s0+$0xFFFFFF80]  }
0xda: {  	[tilespmem:s29+$0x20] =	vst v5;
	v7 =	vld [tilespmem:s0+$0xFFFFFFA0]  }
0xdb: {  	[tilespmem:s29+$0x40] =	vst v6;
	v8 =	vld [tilespmem:s0+$0xFFFFFFC0]  }
0xdc: {  	v9 =	vld [tilespmem:s0+$0xFFFFFFE0]  }
0xdd: {  	[tilespmem:s29+$0xFFFFFF00] =	vst v1;
	v10 =	vld.idx.msk [tilespmem:v0+s6+$0x0], $0xffff  }
0xde: {  	v0 =	vld [tilespmem:s0+$0xFFFFFF20]  }
0xdf: {  	v6 =	vld.idx.msk [tilespmem:v2+s6+$0x0], $0xffff  }
0xe0: {  	v5 =	vld.idx.msk [tilespmem:v3+s6+$0x0], $0xffff  }
0xe1: {  	v2 =	vld.idx.msk [tilespmem:v4+s6+$0x0], $0xffff  }
0xe2: {  	v1 =	vld.idx.msk [tilespmem:v7+s6+$0x0], $0xffff  }
0xe3: {  	v3 =	vld.idx.msk [tilespmem:v8+s6+$0x0], $0xffff  }
0xe4: {  	s31 =	simm.s32 $0x0;
	s30 =	simm.s32 $0x1C800;
	v4 =	vld.idx.msk [tilespmem:v9+s6+$0x0], $0xffff;
	s0 =	simm.s32 $0x1A8F0;
	[tilespmem:s29+$0x70] =	vst v10  }
.LBB2_11:
0xe5: {  	v7 =	vld [tilespmem:s0+$0xFFFFFFF0];
	s31 =	sadd.s32 $0x8, s31;
	[tilespmem:s29+$0xFFFFFF30] =	vst v6  }
0xe6: {  	v6 =	vld [tilespmem:s0+$0xFFFFFF30];
	p0 =	slt.u32 s31, $0x78;
	[tilespmem:s29+$0xFFFFFF50] =	vst v5  }
0xe7: {  	v5 =	vld [tilespmem:s0+$0xFFFFFF50];
	[tilespmem:s29+$0xFFFFFF70] =	vst v2  }
0xe8: {  	v2 =	vld [tilespmem:s0+$0xFFFFFF70];
	[tilespmem:s29+$0x10] =	vst v1  }
0xe9: {  	v1 =	vld [tilespmem:s0+$0xFFFFFF90];
	[tilespmem:s29+$0x30] =	vst v3  }
0xea: {  	v3 =	vld [tilespmem:s0+$0xFFFFFFB0];
	[tilespmem:s29+$0x50] =	vst v4  }
0xeb: {  	v4 =	vld [tilespmem:s0+$0xFFFFFFD0]  }
0xec: {  	v8 =	vld [tilespmem:s0+$0xFFFFFF10]  }
0xed: {  	v7 =	vld.idx.msk [tilespmem:v7+s6+$0x0], $0xffff  }
0xee: {  	v6 =	vld.idx.msk [tilespmem:v6+s6+$0x0], $0xffff  }
0xef: {  	v5 =	vld.idx.msk [tilespmem:v5+s6+$0x0], $0xffff  }
0xf0: {  	v2 =	vld.idx.msk [tilespmem:v2+s6+$0x0], $0xffff  }
0xf1: {  	v1 =	vld.idx.msk [tilespmem:v1+s6+$0x0], $0xffff  }
0xf2: {  	s29 =	sadd.s32 $0x200, s29;
	v3 =	vld.idx.msk [tilespmem:v3+s6+$0x0], $0xffff  }
0xf3: {  	v4 =	vld.idx.msk [tilespmem:v4+s6+$0x0], $0xffff;
	[tilespmem:s29+$0x60] =	vst v7  }
0xf4: {  	[tilespmem:s29+$0xFFFFFF20] =	vst v6;
	v6 =	vld [tilespmem:s0+$0x0]  }
0xf5: {  	v7 =	vld.idx.msk [tilespmem:v8+s6+$0x0], $0xffff;
	[tilespmem:s29+$0xFFFFFF40] =	vst v5  }
0xf6: {  	v5 =	vld [tilespmem:s0+$0xFFFFFF40];
	[tilespmem:s29+$0xFFFFFF60] =	vst v2  }
0xf7: {  	v2 =	vld [tilespmem:s0+$0xFFFFFF60];
	[tilespmem:s29+$0x0] =	vst v1  }
0xf8: {  	v1 =	vld [tilespmem:s0+$0xFFFFFF80];
	[tilespmem:s29+$0x20] =	vst v3  }
0xf9: {  	v3 =	vld [tilespmem:s0+$0xFFFFFFA0];
	[tilespmem:s29+$0x40] =	vst v4  }
0xfa: {  	v4 =	vld [tilespmem:s0+$0xFFFFFFC0]  }
0xfb: {  	[tilespmem:s29+$0xFFFFFF00] =	vst v7;
	v7 =	vld [tilespmem:s0+$0xFFFFFFE0]  }
0xfc: {  	v8 =	vld.idx.msk [tilespmem:v6+s6+$0x0], $0xffff  }
0xfd: {  	v9 =	vld [tilespmem:s0+$0xFFFFFF20]  }
0xfe: {  	v10 =	vld.idx.msk [tilespmem:v0+s6+$0x0], $0xffff  }
0xff: {  	v6 =	vld.idx.msk [tilespmem:v5+s6+$0x0], $0xffff  }
.Ltmp4:
0x100: {  	v5 =	vld.idx.msk [tilespmem:v2+s6+$0x0], $0xffff;
	(pc) =	sbr.rel @p0 .LBB2_11-.Ltmp4, $4  }
0x101: {  	v2 =	vld.idx.msk [tilespmem:v1+s6+$0x0], $0xffff  }
0x102: {  	v1 =	vld.idx.msk [tilespmem:v3+s6+$0x0], $0xffff;
	[tilespmem:s29+$0x70] =	vst v8;
	v0 =	vmov v9  }
0x103: {  	v3 =	vld.idx.msk [tilespmem:v4+s6+$0x0], $0xffff  }
0x104: {  	s0 =	sadd.s32 $0x100, s0;
	v4 =	vld.idx.msk [tilespmem:v7+s6+$0x0], $0xffff;
	[tilespmem:s30+$0xFFFFFF10] =	vst v10;
	s30 =	smov.u32 s29  }
0x105: {  	_ =	sdelay $0x2  }
0x106: {  	[tilespmem:s29+$0xFFFFFF30] =	vst v6  }
0x107: {  	[tilespmem:s29+$0xFFFFFF50] =	vst v5;
	v0 =	vld.idx.msk [tilespmem:v0+s6+$0x0], $0xffff  }
0x108: {  	[tilespmem:s29+$0xFFFFFF70] =	vst v2  }
0x109: {  	[tilespmem:s29+$0x10] =	vst v1  }
0x10a: {  	[tilespmem:s29+$0x30] =	vst v3  }
0x10b: {  	s0 =	sadd.s32 s28, s10;
	s31 =	simm.s32 $0x1C800;
	[tilespmem:s29+$0x50] =	vst v4  }
0x10c: {  	s5 =	sadd.s32 $0x0, s0;
	s29 =	simm.s32 $0x1C700;
	[tilespmem:s30+$0xFFFFFF10] =	vst v0;
	s30 =	simm.s32 $0x80  }
.LBB2_13:
0x10d: {  	[hbm4b:s5+s6] =	stream.linear.scatter [tilespmem:s29], [sflag:$0x1], $0x80, $0x38;
	[tilespmem:$0x1E780] =	vst v63  }
0x10e: {  	s5 =	smov.u32 s30;
	s29 =	smov.u32 s31;
	p0 =	sne.s32 s30, $0xF80  }
.Ltmp5:
0x10f: {  	s30 =	sadd.s32 $0x80, s30;
	(pc) =	sbr.rel @p0 .LBB2_13-.Ltmp5, $2  }
0x110: {  	_ =	sdelay $0x2  }
0x111: {  	s31 =	sadd.s32 $0x100, s31;
	s5 =	sadd.s32 s5, s0  }
0x112: {  	[hbm4b:s5+s6] =	stream.linear.scatter [tilespmem:s29], [sflag:$0x1], $0x80, $0x38;
	[tilespmem:$0x1E780] =	vst v63  }
0x113: {  	_ =	swait.ge [sflag:s23], $0x1000  }
0x114: {  	[sflag:s23] =	ssyncset.done $0x0  }
0x115: {  	s0 =	simm.s32 $0x1B7F0;
	[sflag:s23] =	ssyncadd.s32 $0xFFFFF000  }
0x116: {  	v0 =	vld [tilespmem:s0+$0xFFFFFFF0]  }
0x117: {  	v1 =	vld [tilespmem:s0+$0xFFFFFF30]  }
0x118: {  	v2 =	vld [tilespmem:s0+$0xFFFFFF50]  }
0x119: {  	v3 =	vld [tilespmem:s0+$0xFFFFFF70]  }
0x11a: {  	v4 =	vld [tilespmem:s0+$0xFFFFFF90]  }
0x11b: {  	v5 =	vld [tilespmem:s0+$0xFFFFFFB0]  }
0x11c: {  	v6 =	vld [tilespmem:s0+$0xFFFFFFD0]  }
0x11d: {  	v7 =	vld [tilespmem:s0+$0xFFFFFF10]  }
0x11e: {  	v0 =	vld.idx.msk [tilespmem:v0+s6+$0x0], $0xffff  }
0x11f: {  	v1 =	vld.idx.msk [tilespmem:v1+s6+$0x0], $0xffff  }
0x120: {  	v2 =	vld.idx.msk [tilespmem:v2+s6+$0x0], $0xffff  }
0x121: {  	v3 =	vld.idx.msk [tilespmem:v3+s6+$0x0], $0xffff  }
0x122: {  	v4 =	vld.idx.msk [tilespmem:v4+s6+$0x0], $0xffff  }
0x123: {  	s29 =	simm.s32 $0x1C880;
	v5 =	vld.idx.msk [tilespmem:v5+s6+$0x0], $0xffff  }
0x124: {  	v6 =	vld.idx.msk [tilespmem:v6+s6+$0x0], $0xffff;
	[tilespmem:s29+$0x60] =	vst v0  }
0x125: {  	v0 =	vld [tilespmem:s0+$0x0]  }
0x126: {  	[tilespmem:s29+$0xFFFFFF20] =	vst v1;
	v1 =	vld.idx.msk [tilespmem:v7+s6+$0x0], $0xffff  }
0x127: {  	[tilespmem:s29+$0xFFFFFF40] =	vst v2;
	v2 =	vld [tilespmem:s0+$0xFFFFFF40]  }
0x128: {  	[tilespmem:s29+$0xFFFFFF60] =	vst v3;
	v3 =	vld [tilespmem:s0+$0xFFFFFF60]  }
0x129: {  	[tilespmem:s29+$0x0] =	vst v4;
	v4 =	vld [tilespmem:s0+$0xFFFFFF80]  }
0x12a: {  	[tilespmem:s29+$0x20] =	vst v5;
	v7 =	vld [tilespmem:s0+$0xFFFFFFA0]  }
0x12b: {  	[tilespmem:s29+$0x40] =	vst v6;
	v8 =	vld [tilespmem:s0+$0xFFFFFFC0]  }
0x12c: {  	v9 =	vld [tilespmem:s0+$0xFFFFFFE0]  }
0x12d: {  	[tilespmem:s29+$0xFFFFFF00] =	vst v1;
	v10 =	vld.idx.msk [tilespmem:v0+s6+$0x0], $0xffff  }
0x12e: {  	v0 =	vld [tilespmem:s0+$0xFFFFFF20]  }
0x12f: {  	v6 =	vld.idx.msk [tilespmem:v2+s6+$0x0], $0xffff  }
0x130: {  	v5 =	vld.idx.msk [tilespmem:v3+s6+$0x0], $0xffff  }
0x131: {  	v2 =	vld.idx.msk [tilespmem:v4+s6+$0x0], $0xffff  }
0x132: {  	v1 =	vld.idx.msk [tilespmem:v7+s6+$0x0], $0xffff  }
0x133: {  	v3 =	vld.idx.msk [tilespmem:v8+s6+$0x0], $0xffff  }
0x134: {  	s31 =	simm.s32 $0x0;
	s30 =	simm.s32 $0x1C880;
	v4 =	vld.idx.msk [tilespmem:v9+s6+$0x0], $0xffff;
	s0 =	simm.s32 $0x1B8F0;
	[tilespmem:s29+$0x70] =	vst v10  }
.LBB2_15:
0x135: {  	v7 =	vld [tilespmem:s0+$0xFFFFFFF0];
	s31 =	sadd.s32 $0x8, s31;
	[tilespmem:s29+$0xFFFFFF30] =	vst v6  }
0x136: {  	v6 =	vld [tilespmem:s0+$0xFFFFFF30];
	p0 =	slt.u32 s31, $0x78;
	[tilespmem:s29+$0xFFFFFF50] =	vst v5  }
0x137: {  	v5 =	vld [tilespmem:s0+$0xFFFFFF50];
	[tilespmem:s29+$0xFFFFFF70] =	vst v2  }
0x138: {  	v2 =	vld [tilespmem:s0+$0xFFFFFF70];
	[tilespmem:s29+$0x10] =	vst v1  }
0x139: {  	v1 =	vld [tilespmem:s0+$0xFFFFFF90];
	[tilespmem:s29+$0x30] =	vst v3  }
0x13a: {  	v3 =	vld [tilespmem:s0+$0xFFFFFFB0];
	[tilespmem:s29+$0x50] =	vst v4  }
0x13b: {  	v4 =	vld [tilespmem:s0+$0xFFFFFFD0]  }
0x13c: {  	v8 =	vld [tilespmem:s0+$0xFFFFFF10]  }
0x13d: {  	v7 =	vld.idx.msk [tilespmem:v7+s6+$0x0], $0xffff  }
0x13e: {  	v6 =	vld.idx.msk [tilespmem:v6+s6+$0x0], $0xffff  }
0x13f: {  	v5 =	vld.idx.msk [tilespmem:v5+s6+$0x0], $0xffff  }
0x140: {  	v2 =	vld.idx.msk [tilespmem:v2+s6+$0x0], $0xffff  }
0x141: {  	v1 =	vld.idx.msk [tilespmem:v1+s6+$0x0], $0xffff  }
0x142: {  	s29 =	sadd.s32 $0x200, s29;
	v3 =	vld.idx.msk [tilespmem:v3+s6+$0x0], $0xffff  }
0x143: {  	v4 =	vld.idx.msk [tilespmem:v4+s6+$0x0], $0xffff;
	[tilespmem:s29+$0x60] =	vst v7  }
0x144: {  	[tilespmem:s29+$0xFFFFFF20] =	vst v6;
	v6 =	vld [tilespmem:s0+$0x0]  }
0x145: {  	v7 =	vld.idx.msk [tilespmem:v8+s6+$0x0], $0xffff;
	[tilespmem:s29+$0xFFFFFF40] =	vst v5  }
0x146: {  	v5 =	vld [tilespmem:s0+$0xFFFFFF40];
	[tilespmem:s29+$0xFFFFFF60] =	vst v2  }
0x147: {  	v2 =	vld [tilespmem:s0+$0xFFFFFF60];
	[tilespmem:s29+$0x0] =	vst v1  }
0x148: {  	v1 =	vld [tilespmem:s0+$0xFFFFFF80];
	[tilespmem:s29+$0x20] =	vst v3  }
0x149: {  	v3 =	vld [tilespmem:s0+$0xFFFFFFA0];
	[tilespmem:s29+$0x40] =	vst v4  }
0x14a: {  	v4 =	vld [tilespmem:s0+$0xFFFFFFC0]  }
0x14b: {  	[tilespmem:s29+$0xFFFFFF00] =	vst v7;
	v7 =	vld [tilespmem:s0+$0xFFFFFFE0]  }
0x14c: {  	v8 =	vld.idx.msk [tilespmem:v6+s6+$0x0], $0xffff  }
0x14d: {  	v9 =	vld [tilespmem:s0+$0xFFFFFF20]  }
0x14e: {  	v10 =	vld.idx.msk [tilespmem:v0+s6+$0x0], $0xffff  }
0x14f: {  	v6 =	vld.idx.msk [tilespmem:v5+s6+$0x0], $0xffff  }
.Ltmp6:
0x150: {  	v5 =	vld.idx.msk [tilespmem:v2+s6+$0x0], $0xffff;
	(pc) =	sbr.rel @p0 .LBB2_15-.Ltmp6, $4  }
0x151: {  	v2 =	vld.idx.msk [tilespmem:v1+s6+$0x0], $0xffff  }
0x152: {  	v1 =	vld.idx.msk [tilespmem:v3+s6+$0x0], $0xffff;
	[tilespmem:s29+$0x70] =	vst v8;
	v0 =	vmov v9  }
0x153: {  	v3 =	vld.idx.msk [tilespmem:v4+s6+$0x0], $0xffff  }
0x154: {  	s0 =	sadd.s32 $0x100, s0;
	v4 =	vld.idx.msk [tilespmem:v7+s6+$0x0], $0xffff;
	[tilespmem:s30+$0xFFFFFF10] =	vst v10;
	s30 =	smov.u32 s29  }
0x155: {  	_ =	sdelay $0x2  }
0x156: {  	[tilespmem:s29+$0xFFFFFF30] =	vst v6  }
0x157: {  	[tilespmem:s29+$0xFFFFFF50] =	vst v5;
	v0 =	vld.idx.msk [tilespmem:v0+s6+$0x0], $0xffff  }
0x158: {  	[tilespmem:s29+$0xFFFFFF70] =	vst v2  }
0x159: {  	[tilespmem:s29+$0x10] =	vst v1  }
0x15a: {  	[tilespmem:s29+$0x30] =	vst v3  }
0x15b: {  	s0 =	sadd.s32 s28, s11;
	s28 =	simm.s32 $0x1C780;
	[tilespmem:s29+$0x50] =	vst v4  }
0x15c: {  	s5 =	sadd.s32 $0x0, s0;
	s29 =	simm.s32 $0x80;
	[tilespmem:s30+$0xFFFFFF10] =	vst v0;
	s30 =	simm.s32 $0x1C880  }
.LBB2_17:
0x15d: {  	[hbm4b:s5+s6] =	stream.linear.scatter [tilespmem:s28], [sflag:$0x2], $0x80, $0x38;
	[tilespmem:$0x1E780] =	vst v63  }
0x15e: {  	s5 =	smov.u32 s29;
	s28 =	smov.u32 s30;
	p0 =	sne.s32 s29, $0xF80  }
.Ltmp7:
0x15f: {  	s29 =	sadd.s32 $0x80, s29;
	(pc) =	sbr.rel @p0 .LBB2_17-.Ltmp7, $2  }
0x160: {  	_ =	sdelay $0x2  }
0x161: {  	s30 =	sadd.s32 $0x100, s30;
	s5 =	sadd.s32 s5, s0  }
0x162: {  	[hbm4b:s5+s6] =	stream.linear.scatter [tilespmem:s28], [sflag:$0x2], $0x80, $0x38;
	[tilespmem:$0x1E780] =	vst v63  }
0x163: {  	s26 =	sadd.s32 $0x1, s26  }
0x164: {  	_ =	swait.ge [sflag:s22], $0x1000;
	p0 =	sne.s32 s26, $0x1A  }
.Ltmp8:
0x165: {  	[sflag:s22] =	ssyncset.done $0x0;
	(pc) =	sbr.rel @p0 .LBB2_2-.Ltmp8, $4  }
0x166: {  	[sflag:s22] =	ssyncadd.s32 $0xFFFFF000  }
0x167: {  	_ =	swait.ge [sflag:s23], $0x1000  }
0x168: {  	[sflag:s23] =	ssyncset.done $0x0  }
0x169: {  	[sflag:s23] =	ssyncadd.s32 $0xFFFFF000  }
0x16a: {  	[tilespmem:s24], [sflag:$0x3] =	stream.linear.gather [hbm4b:s7+s6], $0x80, $0x38;
	[tilespmem:$0x1E780] =	vst v63  }
0x16b: {  	_ =	swait.ge [sflag:s21], $0x80  }
0x16c: {  	[sflag:s21] =	ssyncset.done $0x0  }
0x16d: {  	[sflag:s21] =	ssyncadd.s32 $0xFFFFFF80  }
0x16e: {  	[tilespmem:s20], [sflag:$0x3] =	stream.linear.gather [hbm4b:s2+s6], $0x4000, $0x38;
	[tilespmem:$0x1E780] =	vst v63  }
0x16f: {  	_ =	swait.ge [sflag:s21], $0x4000  }
0x170: {  	[sflag:s21] =	ssyncset.done $0x0  }
0x171: {  	[sflag:s21] =	ssyncadd.s32 $0xFFFFC000  }
0x172: {  	v0 =	vld [tilespmem:$0x1E700];
	_ =	sdelay $0x4  }
0x173: {  	(v2sf) =	vpush v0, $0x0;
	_ =	sdelay $0xe  }
0x174: {  	s0 =	spop (v2sf)  }
0x175: {  	s0 =	smul.u32 $0x30E000, s0;
	_ =	sdelay $0x1  }
0x176: {  	s0 =	sadd.s32 s12, s0  }
0x177: {  	s0 =	sshrl.u32 s0, $0x3  }
0x178: {  	s0 =	sadd.s32 s3, s0  }
0x179: {  	[tilespmem:s6], [sflag:$0x3] =	stream.strided.gather [hbm4b:s0+s18], $0x18700, s19, s18, $0x38;
	[tilespmem:$0x1E780] =	vst v63  }
0x17a: {  	_ =	swait.ge [sflag:s21], $0x18700  }
0x17b: {  	[sflag:s21] =	ssyncset.done $0x0  }
0x17c: {  	s31 =	simm.s32 $0x18780;
	[sflag:s21] =	ssyncadd.s32 $0xFFFE7900  }
0x17d: {  	v0 =	vld [tilespmem:s31+$0x60]  }
0x17e: {  	v1 =	vld [tilespmem:s31+$0xFFFFFFA0]  }
0x17f: {  	v2 =	vld [tilespmem:s31+$0xFFFFFFC0]  }
0x180: {  	v3 =	vld [tilespmem:s31+$0xFFFFFFE0]  }
0x181: {  	v4 =	vld [tilespmem:s31+$0x0]  }
0x182: {  	v5 =	vld [tilespmem:s31+$0x20]  }
0x183: {  	v6 =	vld [tilespmem:s31+$0x40]  }
0x184: {  	v7 =	vld [tilespmem:s31+$0xFFFFFF80]  }
0x185: {  	v0 =	vld.idx.msk [tilespmem:v0+s6+$0x0], $0xffff  }
0x186: {  	v1 =	vld.idx.msk [tilespmem:v1+s6+$0x0], $0xffff  }
0x187: {  	v2 =	vld.idx.msk [tilespmem:v2+s6+$0x0], $0xffff  }
0x188: {  	v3 =	vld.idx.msk [tilespmem:v3+s6+$0x0], $0xffff  }
0x189: {  	v4 =	vld.idx.msk [tilespmem:v4+s6+$0x0], $0xffff  }
0x18a: {  	s26 =	simm.s32 $0x1C800;
	v5 =	vld.idx.msk [tilespmem:v5+s6+$0x0], $0xffff  }
0x18b: {  	v6 =	vld.idx.msk [tilespmem:v6+s6+$0x0], $0xffff;
	[tilespmem:s26+$0x60] =	vst v0  }
0x18c: {  	v0 =	vld [tilespmem:s31+$0x70]  }
0x18d: {  	[tilespmem:s26+$0xFFFFFF20] =	vst v1;
	v1 =	vld.idx.msk [tilespmem:v7+s6+$0x0], $0xffff  }
0x18e: {  	[tilespmem:s26+$0xFFFFFF40] =	vst v2;
	v2 =	vld [tilespmem:s31+$0xFFFFFFB0]  }
0x18f: {  	[tilespmem:s26+$0xFFFFFF60] =	vst v3;
	v3 =	vld [tilespmem:s31+$0xFFFFFFD0]  }
0x190: {  	[tilespmem:s26+$0x0] =	vst v4;
	v4 =	vld [tilespmem:s31+$0xFFFFFFF0]  }
0x191: {  	[tilespmem:s26+$0x20] =	vst v5;
	v7 =	vld [tilespmem:s31+$0x10]  }
0x192: {  	[tilespmem:s26+$0x40] =	vst v6;
	v8 =	vld [tilespmem:s31+$0x30]  }
0x193: {  	v9 =	vld [tilespmem:s31+$0x50]  }
0x194: {  	[tilespmem:s26+$0xFFFFFF00] =	vst v1;
	v10 =	vld.idx.msk [tilespmem:v0+s6+$0x0], $0xffff  }
0x195: {  	v0 =	vld [tilespmem:s31+$0xFFFFFF90]  }
0x196: {  	v6 =	vld.idx.msk [tilespmem:v2+s6+$0x0], $0xffff  }
0x197: {  	v5 =	vld.idx.msk [tilespmem:v3+s6+$0x0], $0xffff  }
0x198: {  	v2 =	vld.idx.msk [tilespmem:v4+s6+$0x0], $0xffff  }
0x199: {  	v1 =	vld.idx.msk [tilespmem:v7+s6+$0x0], $0xffff  }
0x19a: {  	v3 =	vld.idx.msk [tilespmem:v8+s6+$0x0], $0xffff  }
0x19b: {  	s29 =	simm.s32 $0x0;
	s28 =	simm.s32 $0x1C800;
	s0 =	simm.s32 $0x18880;
	v4 =	vld.idx.msk [tilespmem:v9+s6+$0x0], $0xffff;
	[tilespmem:s26+$0x70] =	vst v10  }
.LBB2_20:
0x19c: {  	v7 =	vld [tilespmem:s0+$0x60];
	s29 =	sadd.s32 $0x8, s29;
	[tilespmem:s26+$0xFFFFFF30] =	vst v6  }
0x19d: {  	v6 =	vld [tilespmem:s0+$0xFFFFFFA0];
	p0 =	slt.u32 s29, $0x78;
	[tilespmem:s26+$0xFFFFFF50] =	vst v5  }
0x19e: {  	v5 =	vld [tilespmem:s0+$0xFFFFFFC0];
	[tilespmem:s26+$0xFFFFFF70] =	vst v2  }
0x19f: {  	v2 =	vld [tilespmem:s0+$0xFFFFFFE0];
	[tilespmem:s26+$0x10] =	vst v1  }
0x1a0: {  	v1 =	vld [tilespmem:s0+$0x0];
	[tilespmem:s26+$0x30] =	vst v3  }
0x1a1: {  	v3 =	vld [tilespmem:s0+$0x20];
	[tilespmem:s26+$0x50] =	vst v4  }
0x1a2: {  	v4 =	vld [tilespmem:s0+$0x40]  }
0x1a3: {  	v8 =	vld [tilespmem:s0+$0xFFFFFF80]  }
0x1a4: {  	v7 =	vld.idx.msk [tilespmem:v7+s6+$0x0], $0xffff  }
0x1a5: {  	v6 =	vld.idx.msk [tilespmem:v6+s6+$0x0], $0xffff  }
0x1a6: {  	v5 =	vld.idx.msk [tilespmem:v5+s6+$0x0], $0xffff  }
0x1a7: {  	v2 =	vld.idx.msk [tilespmem:v2+s6+$0x0], $0xffff  }
0x1a8: {  	v1 =	vld.idx.msk [tilespmem:v1+s6+$0x0], $0xffff  }
0x1a9: {  	s26 =	sadd.s32 $0x200, s26;
	v3 =	vld.idx.msk [tilespmem:v3+s6+$0x0], $0xffff  }
0x1aa: {  	v4 =	vld.idx.msk [tilespmem:v4+s6+$0x0], $0xffff;
	[tilespmem:s26+$0x60] =	vst v7  }
0x1ab: {  	[tilespmem:s26+$0xFFFFFF20] =	vst v6;
	v6 =	vld [tilespmem:s0+$0x70]  }
0x1ac: {  	v7 =	vld.idx.msk [tilespmem:v8+s6+$0x0], $0xffff;
	[tilespmem:s26+$0xFFFFFF40] =	vst v5  }
0x1ad: {  	v5 =	vld [tilespmem:s0+$0xFFFFFFB0];
	[tilespmem:s26+$0xFFFFFF60] =	vst v2  }
0x1ae: {  	v2 =	vld [tilespmem:s0+$0xFFFFFFD0];
	[tilespmem:s26+$0x0] =	vst v1  }
0x1af: {  	v1 =	vld [tilespmem:s0+$0xFFFFFFF0];
	[tilespmem:s26+$0x20] =	vst v3  }
0x1b0: {  	v3 =	vld [tilespmem:s0+$0x10];
	[tilespmem:s26+$0x40] =	vst v4  }
0x1b1: {  	v4 =	vld [tilespmem:s0+$0x30]  }
0x1b2: {  	[tilespmem:s26+$0xFFFFFF00] =	vst v7;
	v7 =	vld [tilespmem:s0+$0x50]  }
0x1b3: {  	v8 =	vld.idx.msk [tilespmem:v6+s6+$0x0], $0xffff  }
0x1b4: {  	v9 =	vld [tilespmem:s0+$0xFFFFFF90]  }
0x1b5: {  	v10 =	vld.idx.msk [tilespmem:v0+s6+$0x0], $0xffff  }
0x1b6: {  	v6 =	vld.idx.msk [tilespmem:v5+s6+$0x0], $0xffff  }
.Ltmp9:
0x1b7: {  	v5 =	vld.idx.msk [tilespmem:v2+s6+$0x0], $0xffff;
	(pc) =	sbr.rel @p0 .LBB2_20-.Ltmp9, $4  }
0x1b8: {  	v2 =	vld.idx.msk [tilespmem:v1+s6+$0x0], $0xffff  }
0x1b9: {  	v1 =	vld.idx.msk [tilespmem:v3+s6+$0x0], $0xffff;
	[tilespmem:s26+$0x70] =	vst v8;
	v0 =	vmov v9  }
0x1ba: {  	v3 =	vld.idx.msk [tilespmem:v4+s6+$0x0], $0xffff  }
0x1bb: {  	s0 =	sadd.s32 $0x100, s0;
	v4 =	vld.idx.msk [tilespmem:v7+s6+$0x0], $0xffff;
	[tilespmem:s28+$0xFFFFFF10] =	vst v10;
	s28 =	smov.u32 s26  }
0x1bc: {  	_ =	sdelay $0x2  }
0x1bd: {  	[tilespmem:s26+$0xFFFFFF30] =	vst v6  }
0x1be: {  	[tilespmem:s26+$0xFFFFFF50] =	vst v5;
	v0 =	vld.idx.msk [tilespmem:v0+s6+$0x0], $0xffff  }
0x1bf: {  	[tilespmem:s26+$0xFFFFFF70] =	vst v2  }
0x1c0: {  	[tilespmem:s26+$0x10] =	vst v1  }
0x1c1: {  	[tilespmem:s26+$0x30] =	vst v3  }
0x1c2: {  	[tilespmem:s26+$0x50] =	vst v4  }
0x1c3: {  	s0 =	simm.s32 $0x0;
	s5 =	simm.s32 $0x1C700;
	[tilespmem:s28+$0xFFFFFF10] =	vst v0  }
.LBB2_22:
0x1c4: {  	p0 =	sne.s32 s0, $0xF80  }
.Ltmp10:
0x1c5: {  	_ = 	snop;
	(pc) =	sbr.rel @p0 .LBB2_22-.Ltmp10, $4  }
0x1c6: {  	_ = 	snop  }
0x1c7: {  	s26 =	sadd.s32 s0, s13  }
0x1c8: {  	[hbm4b:s26+s6] =	stream.linear.scatter [tilespmem:s5], [sflag:$0x1], $0x80, $0x38;
	[tilespmem:$0x1E780] =	vst v63  }
0x1c9: {  	s0 =	sadd.s32 $0x80, s0;
	s5 =	sadd.s32 $0x100, s5  }
0x1ca: {  	s0 =	simm.s32 $0x197F0  }
0x1cb: {  	v0 =	vld [tilespmem:s0+$0xFFFFFFF0]  }
0x1cc: {  	v1 =	vld [tilespmem:s0+$0xFFFFFF30]  }
0x1cd: {  	v2 =	vld [tilespmem:s0+$0xFFFFFF50]  }
0x1ce: {  	v3 =	vld [tilespmem:s0+$0xFFFFFF70]  }
0x1cf: {  	v4 =	vld [tilespmem:s0+$0xFFFFFF90]  }
0x1d0: {  	v5 =	vld [tilespmem:s0+$0xFFFFFFB0]  }
0x1d1: {  	v6 =	vld [tilespmem:s0+$0xFFFFFFD0]  }
0x1d2: {  	v7 =	vld [tilespmem:s0+$0xFFFFFF10]  }
0x1d3: {  	v0 =	vld.idx.msk [tilespmem:v0+s6+$0x0], $0xffff  }
0x1d4: {  	v1 =	vld.idx.msk [tilespmem:v1+s6+$0x0], $0xffff  }
0x1d5: {  	v2 =	vld.idx.msk [tilespmem:v2+s6+$0x0], $0xffff  }
0x1d6: {  	v3 =	vld.idx.msk [tilespmem:v3+s6+$0x0], $0xffff  }
0x1d7: {  	v4 =	vld.idx.msk [tilespmem:v4+s6+$0x0], $0xffff  }
0x1d8: {  	s26 =	simm.s32 $0x1C880;
	v5 =	vld.idx.msk [tilespmem:v5+s6+$0x0], $0xffff  }
0x1d9: {  	v6 =	vld.idx.msk [tilespmem:v6+s6+$0x0], $0xffff;
	[tilespmem:s26+$0x60] =	vst v0  }
0x1da: {  	v0 =	vld [tilespmem:s0+$0x0]  }
0x1db: {  	[tilespmem:s26+$0xFFFFFF20] =	vst v1;
	v1 =	vld.idx.msk [tilespmem:v7+s6+$0x0], $0xffff  }
0x1dc: {  	[tilespmem:s26+$0xFFFFFF40] =	vst v2;
	v2 =	vld [tilespmem:s0+$0xFFFFFF40]  }
0x1dd: {  	[tilespmem:s26+$0xFFFFFF60] =	vst v3;
	v3 =	vld [tilespmem:s0+$0xFFFFFF60]  }
0x1de: {  	[tilespmem:s26+$0x0] =	vst v4;
	v4 =	vld [tilespmem:s0+$0xFFFFFF80]  }
0x1df: {  	[tilespmem:s26+$0x20] =	vst v5;
	v7 =	vld [tilespmem:s0+$0xFFFFFFA0]  }
0x1e0: {  	[tilespmem:s26+$0x40] =	vst v6;
	v8 =	vld [tilespmem:s0+$0xFFFFFFC0]  }
0x1e1: {  	v9 =	vld [tilespmem:s0+$0xFFFFFFE0]  }
0x1e2: {  	[tilespmem:s26+$0xFFFFFF00] =	vst v1;
	v10 =	vld.idx.msk [tilespmem:v0+s6+$0x0], $0xffff  }
0x1e3: {  	v0 =	vld [tilespmem:s0+$0xFFFFFF20]  }
0x1e4: {  	v6 =	vld.idx.msk [tilespmem:v2+s6+$0x0], $0xffff  }
0x1e5: {  	v5 =	vld.idx.msk [tilespmem:v3+s6+$0x0], $0xffff  }
0x1e6: {  	v2 =	vld.idx.msk [tilespmem:v4+s6+$0x0], $0xffff  }
0x1e7: {  	v1 =	vld.idx.msk [tilespmem:v7+s6+$0x0], $0xffff  }
0x1e8: {  	v3 =	vld.idx.msk [tilespmem:v8+s6+$0x0], $0xffff  }
0x1e9: {  	s29 =	simm.s32 $0x0;
	s28 =	simm.s32 $0x1C880;
	v4 =	vld.idx.msk [tilespmem:v9+s6+$0x0], $0xffff;
	s0 =	simm.s32 $0x198F0;
	[tilespmem:s26+$0x70] =	vst v10  }
.LBB2_24:
0x1ea: {  	v7 =	vld [tilespmem:s0+$0xFFFFFFF0];
	s29 =	sadd.s32 $0x8, s29;
	[tilespmem:s26+$0xFFFFFF30] =	vst v6  }
0x1eb: {  	v6 =	vld [tilespmem:s0+$0xFFFFFF30];
	p0 =	slt.u32 s29, $0x78;
	[tilespmem:s26+$0xFFFFFF50] =	vst v5  }
0x1ec: {  	v5 =	vld [tilespmem:s0+$0xFFFFFF50];
	[tilespmem:s26+$0xFFFFFF70] =	vst v2  }
0x1ed: {  	v2 =	vld [tilespmem:s0+$0xFFFFFF70];
	[tilespmem:s26+$0x10] =	vst v1  }
0x1ee: {  	v1 =	vld [tilespmem:s0+$0xFFFFFF90];
	[tilespmem:s26+$0x30] =	vst v3  }
0x1ef: {  	v3 =	vld [tilespmem:s0+$0xFFFFFFB0];
	[tilespmem:s26+$0x50] =	vst v4  }
0x1f0: {  	v4 =	vld [tilespmem:s0+$0xFFFFFFD0]  }
0x1f1: {  	v8 =	vld [tilespmem:s0+$0xFFFFFF10]  }
0x1f2: {  	v7 =	vld.idx.msk [tilespmem:v7+s6+$0x0], $0xffff  }
0x1f3: {  	v6 =	vld.idx.msk [tilespmem:v6+s6+$0x0], $0xffff  }
0x1f4: {  	v5 =	vld.idx.msk [tilespmem:v5+s6+$0x0], $0xffff  }
0x1f5: {  	v2 =	vld.idx.msk [tilespmem:v2+s6+$0x0], $0xffff  }
0x1f6: {  	v1 =	vld.idx.msk [tilespmem:v1+s6+$0x0], $0xffff  }
0x1f7: {  	s26 =	sadd.s32 $0x200, s26;
	v3 =	vld.idx.msk [tilespmem:v3+s6+$0x0], $0xffff  }
0x1f8: {  	v4 =	vld.idx.msk [tilespmem:v4+s6+$0x0], $0xffff;
	[tilespmem:s26+$0x60] =	vst v7  }
0x1f9: {  	[tilespmem:s26+$0xFFFFFF20] =	vst v6;
	v6 =	vld [tilespmem:s0+$0x0]  }
0x1fa: {  	v7 =	vld.idx.msk [tilespmem:v8+s6+$0x0], $0xffff;
	[tilespmem:s26+$0xFFFFFF40] =	vst v5  }
0x1fb: {  	v5 =	vld [tilespmem:s0+$0xFFFFFF40];
	[tilespmem:s26+$0xFFFFFF60] =	vst v2  }
0x1fc: {  	v2 =	vld [tilespmem:s0+$0xFFFFFF60];
	[tilespmem:s26+$0x0] =	vst v1  }
0x1fd: {  	v1 =	vld [tilespmem:s0+$0xFFFFFF80];
	[tilespmem:s26+$0x20] =	vst v3  }
0x1fe: {  	v3 =	vld [tilespmem:s0+$0xFFFFFFA0];
	[tilespmem:s26+$0x40] =	vst v4  }
0x1ff: {  	v4 =	vld [tilespmem:s0+$0xFFFFFFC0]  }
0x200: {  	[tilespmem:s26+$0xFFFFFF00] =	vst v7;
	v7 =	vld [tilespmem:s0+$0xFFFFFFE0]  }
0x201: {  	v8 =	vld.idx.msk [tilespmem:v6+s6+$0x0], $0xffff  }
0x202: {  	v9 =	vld [tilespmem:s0+$0xFFFFFF20]  }
0x203: {  	v10 =	vld.idx.msk [tilespmem:v0+s6+$0x0], $0xffff  }
0x204: {  	v6 =	vld.idx.msk [tilespmem:v5+s6+$0x0], $0xffff  }
.Ltmp11:
0x205: {  	v5 =	vld.idx.msk [tilespmem:v2+s6+$0x0], $0xffff;
	(pc) =	sbr.rel @p0 .LBB2_24-.Ltmp11, $4  }
0x206: {  	v2 =	vld.idx.msk [tilespmem:v1+s6+$0x0], $0xffff  }
0x207: {  	v1 =	vld.idx.msk [tilespmem:v3+s6+$0x0], $0xffff;
	[tilespmem:s26+$0x70] =	vst v8;
	v0 =	vmov v9  }
0x208: {  	v3 =	vld.idx.msk [tilespmem:v4+s6+$0x0], $0xffff  }
0x209: {  	s0 =	sadd.s32 $0x100, s0;
	v4 =	vld.idx.msk [tilespmem:v7+s6+$0x0], $0xffff;
	[tilespmem:s28+$0xFFFFFF10] =	vst v10;
	s28 =	smov.u32 s26  }
0x20a: {  	_ =	sdelay $0x2  }
0x20b: {  	[tilespmem:s26+$0xFFFFFF30] =	vst v6  }
0x20c: {  	[tilespmem:s26+$0xFFFFFF50] =	vst v5;
	v0 =	vld.idx.msk [tilespmem:v0+s6+$0x0], $0xffff  }
0x20d: {  	[tilespmem:s26+$0xFFFFFF70] =	vst v2  }
0x20e: {  	[tilespmem:s26+$0x10] =	vst v1  }
0x20f: {  	[tilespmem:s26+$0x30] =	vst v3  }
0x210: {  	s0 =	simm.s32 $0x1C780;
	[tilespmem:s26+$0x50] =	vst v4  }
0x211: {  	s5 =	sadd.s32 $0x0, s14;
	s26 =	simm.s32 $0x80;
	[tilespmem:s28+$0xFFFFFF10] =	vst v0;
	s28 =	simm.s32 $0x1C880  }
.LBB2_26:
0x212: {  	[hbm4b:s5+s6] =	stream.linear.scatter [tilespmem:s0], [sflag:$0x2], $0x80, $0x38;
	[tilespmem:$0x1E780] =	vst v63  }
0x213: {  	s5 =	smov.u32 s26;
	s0 =	smov.u32 s28;
	p0 =	sne.s32 s26, $0xF80  }
.Ltmp12:
0x214: {  	s26 =	sadd.s32 $0x80, s26;
	(pc) =	sbr.rel @p0 .LBB2_26-.Ltmp12, $2  }
0x215: {  	_ =	sdelay $0x2  }
0x216: {  	s28 =	sadd.s32 $0x100, s28;
	s5 =	sadd.s32 s5, s14  }
0x217: {  	[hbm4b:s5+s6] =	stream.linear.scatter [tilespmem:s0], [sflag:$0x2], $0x80, $0x38;
	[tilespmem:$0x1E780] =	vst v63  }
0x218: {  	_ =	swait.ge [sflag:s22], $0x1000  }
0x219: {  	[sflag:s22] =	ssyncset.done $0x0  }
0x21a: {  	s31 =	simm.s32 $0x1A7F0;
	[sflag:s22] =	ssyncadd.s32 $0xFFFFF000  }
0x21b: {  	v0 =	vld [tilespmem:s31+$0xFFFFFFF0]  }
0x21c: {  	v1 =	vld [tilespmem:s31+$0xFFFFFF30]  }
0x21d: {  	v2 =	vld [tilespmem:s31+$0xFFFFFF50]  }
0x21e: {  	v3 =	vld [tilespmem:s31+$0xFFFFFF70]  }
0x21f: {  	v4 =	vld [tilespmem:s31+$0xFFFFFF90]  }
0x220: {  	v5 =	vld [tilespmem:s31+$0xFFFFFFB0]  }
0x221: {  	v6 =	vld [tilespmem:s31+$0xFFFFFFD0]  }
0x222: {  	v7 =	vld [tilespmem:s31+$0xFFFFFF10]  }
0x223: {  	v0 =	vld.idx.msk [tilespmem:v0+s6+$0x0], $0xffff  }
0x224: {  	v1 =	vld.idx.msk [tilespmem:v1+s6+$0x0], $0xffff  }
0x225: {  	v2 =	vld.idx.msk [tilespmem:v2+s6+$0x0], $0xffff  }
0x226: {  	v3 =	vld.idx.msk [tilespmem:v3+s6+$0x0], $0xffff  }
0x227: {  	v4 =	vld.idx.msk [tilespmem:v4+s6+$0x0], $0xffff  }
0x228: {  	s26 =	simm.s32 $0x1C800;
	v5 =	vld.idx.msk [tilespmem:v5+s6+$0x0], $0xffff  }
0x229: {  	v6 =	vld.idx.msk [tilespmem:v6+s6+$0x0], $0xffff;
	[tilespmem:s26+$0x60] =	vst v0  }
0x22a: {  	v0 =	vld [tilespmem:s31+$0x0]  }
0x22b: {  	[tilespmem:s26+$0xFFFFFF20] =	vst v1;
	v1 =	vld.idx.msk [tilespmem:v7+s6+$0x0], $0xffff  }
0x22c: {  	[tilespmem:s26+$0xFFFFFF40] =	vst v2;
	v2 =	vld [tilespmem:s31+$0xFFFFFF40]  }
0x22d: {  	[tilespmem:s26+$0xFFFFFF60] =	vst v3;
	v3 =	vld [tilespmem:s31+$0xFFFFFF60]  }
0x22e: {  	[tilespmem:s26+$0x0] =	vst v4;
	v4 =	vld [tilespmem:s31+$0xFFFFFF80]  }
0x22f: {  	[tilespmem:s26+$0x20] =	vst v5;
	v7 =	vld [tilespmem:s31+$0xFFFFFFA0]  }
0x230: {  	[tilespmem:s26+$0x40] =	vst v6;
	v8 =	vld [tilespmem:s31+$0xFFFFFFC0]  }
0x231: {  	v9 =	vld [tilespmem:s31+$0xFFFFFFE0]  }
0x232: {  	[tilespmem:s26+$0xFFFFFF00] =	vst v1;
	v10 =	vld.idx.msk [tilespmem:v0+s6+$0x0], $0xffff  }
0x233: {  	v0 =	vld [tilespmem:s31+$0xFFFFFF20]  }
0x234: {  	v6 =	vld.idx.msk [tilespmem:v2+s6+$0x0], $0xffff  }
0x235: {  	v5 =	vld.idx.msk [tilespmem:v3+s6+$0x0], $0xffff  }
0x236: {  	v2 =	vld.idx.msk [tilespmem:v4+s6+$0x0], $0xffff  }
0x237: {  	v1 =	vld.idx.msk [tilespmem:v7+s6+$0x0], $0xffff  }
0x238: {  	v3 =	vld.idx.msk [tilespmem:v8+s6+$0x0], $0xffff  }
0x239: {  	s29 =	simm.s32 $0x0;
	s0 =	simm.s32 $0x1A8F0;
	s28 =	simm.s32 $0x1C800;
	v4 =	vld.idx.msk [tilespmem:v9+s6+$0x0], $0xffff;
	[tilespmem:s26+$0x70] =	vst v10  }
.LBB2_28:
0x23a: {  	v7 =	vld [tilespmem:s0+$0xFFFFFFF0];
	s29 =	sadd.s32 $0x8, s29;
	[tilespmem:s26+$0xFFFFFF30] =	vst v6  }
0x23b: {  	v6 =	vld [tilespmem:s0+$0xFFFFFF30];
	p0 =	slt.u32 s29, $0x78;
	[tilespmem:s26+$0xFFFFFF50] =	vst v5  }
0x23c: {  	v5 =	vld [tilespmem:s0+$0xFFFFFF50];
	[tilespmem:s26+$0xFFFFFF70] =	vst v2  }
0x23d: {  	v2 =	vld [tilespmem:s0+$0xFFFFFF70];
	[tilespmem:s26+$0x10] =	vst v1  }
0x23e: {  	v1 =	vld [tilespmem:s0+$0xFFFFFF90];
	[tilespmem:s26+$0x30] =	vst v3  }
0x23f: {  	v3 =	vld [tilespmem:s0+$0xFFFFFFB0];
	[tilespmem:s26+$0x50] =	vst v4  }
0x240: {  	v4 =	vld [tilespmem:s0+$0xFFFFFFD0]  }
0x241: {  	v8 =	vld [tilespmem:s0+$0xFFFFFF10]  }
0x242: {  	v7 =	vld.idx.msk [tilespmem:v7+s6+$0x0], $0xffff  }
0x243: {  	v6 =	vld.idx.msk [tilespmem:v6+s6+$0x0], $0xffff  }
0x244: {  	v5 =	vld.idx.msk [tilespmem:v5+s6+$0x0], $0xffff  }
0x245: {  	v2 =	vld.idx.msk [tilespmem:v2+s6+$0x0], $0xffff  }
0x246: {  	v1 =	vld.idx.msk [tilespmem:v1+s6+$0x0], $0xffff  }
0x247: {  	s26 =	sadd.s32 $0x200, s26;
	v3 =	vld.idx.msk [tilespmem:v3+s6+$0x0], $0xffff  }
0x248: {  	v4 =	vld.idx.msk [tilespmem:v4+s6+$0x0], $0xffff;
	[tilespmem:s26+$0x60] =	vst v7  }
0x249: {  	[tilespmem:s26+$0xFFFFFF20] =	vst v6;
	v6 =	vld [tilespmem:s0+$0x0]  }
0x24a: {  	v7 =	vld.idx.msk [tilespmem:v8+s6+$0x0], $0xffff;
	[tilespmem:s26+$0xFFFFFF40] =	vst v5  }
0x24b: {  	v5 =	vld [tilespmem:s0+$0xFFFFFF40];
	[tilespmem:s26+$0xFFFFFF60] =	vst v2  }
0x24c: {  	v2 =	vld [tilespmem:s0+$0xFFFFFF60];
	[tilespmem:s26+$0x0] =	vst v1  }
0x24d: {  	v1 =	vld [tilespmem:s0+$0xFFFFFF80];
	[tilespmem:s26+$0x20] =	vst v3  }
0x24e: {  	v3 =	vld [tilespmem:s0+$0xFFFFFFA0];
	[tilespmem:s26+$0x40] =	vst v4  }
0x24f: {  	v4 =	vld [tilespmem:s0+$0xFFFFFFC0]  }
0x250: {  	[tilespmem:s26+$0xFFFFFF00] =	vst v7;
	v7 =	vld [tilespmem:s0+$0xFFFFFFE0]  }
0x251: {  	v8 =	vld.idx.msk [tilespmem:v6+s6+$0x0], $0xffff  }
0x252: {  	v9 =	vld [tilespmem:s0+$0xFFFFFF20]  }
0x253: {  	v10 =	vld.idx.msk [tilespmem:v0+s6+$0x0], $0xffff  }
0x254: {  	v6 =	vld.idx.msk [tilespmem:v5+s6+$0x0], $0xffff  }
.Ltmp13:
0x255: {  	v5 =	vld.idx.msk [tilespmem:v2+s6+$0x0], $0xffff;
	(pc) =	sbr.rel @p0 .LBB2_28-.Ltmp13, $4  }
0x256: {  	v2 =	vld.idx.msk [tilespmem:v1+s6+$0x0], $0xffff  }
0x257: {  	v1 =	vld.idx.msk [tilespmem:v3+s6+$0x0], $0xffff;
	[tilespmem:s26+$0x70] =	vst v8;
	v0 =	vmov v9  }
0x258: {  	v3 =	vld.idx.msk [tilespmem:v4+s6+$0x0], $0xffff  }
0x259: {  	s0 =	sadd.s32 $0x100, s0;
	v4 =	vld.idx.msk [tilespmem:v7+s6+$0x0], $0xffff;
	[tilespmem:s28+$0xFFFFFF10] =	vst v10;
	s28 =	smov.u32 s26  }
0x25a: {  	_ =	sdelay $0x2  }
0x25b: {  	[tilespmem:s26+$0xFFFFFF30] =	vst v6  }
0x25c: {  	[tilespmem:s26+$0xFFFFFF50] =	vst v5;
	v0 =	vld.idx.msk [tilespmem:v0+s6+$0x0], $0xffff  }
0x25d: {  	[tilespmem:s26+$0xFFFFFF70] =	vst v2  }
0x25e: {  	[tilespmem:s26+$0x10] =	vst v1  }
0x25f: {  	[tilespmem:s26+$0x30] =	vst v3  }
0x260: {  	s0 =	simm.s32 $0x1C700;
	[tilespmem:s26+$0x50] =	vst v4  }
0x261: {  	s5 =	sadd.s32 $0x0, s15;
	s26 =	simm.s32 $0x80;
	[tilespmem:s28+$0xFFFFFF10] =	vst v0;
	s28 =	simm.s32 $0x1C800  }
.LBB2_30:
0x262: {  	[hbm4b:s5+s6] =	stream.linear.scatter [tilespmem:s0], [sflag:$0x1], $0x80, $0x38;
	[tilespmem:$0x1E780] =	vst v63  }
0x263: {  	s5 =	smov.u32 s26;
	s0 =	smov.u32 s28;
	p0 =	sne.s32 s26, $0xF80  }
.Ltmp14:
0x264: {  	s26 =	sadd.s32 $0x80, s26;
	(pc) =	sbr.rel @p0 .LBB2_30-.Ltmp14, $2  }
0x265: {  	_ =	sdelay $0x2  }
0x266: {  	s28 =	sadd.s32 $0x100, s28;
	s5 =	sadd.s32 s5, s15  }
0x267: {  	[hbm4b:s5+s6] =	stream.linear.scatter [tilespmem:s0], [sflag:$0x1], $0x80, $0x38;
	[tilespmem:$0x1E780] =	vst v63  }
0x268: {  	_ =	swait.ge [sflag:s23], $0x1000  }
0x269: {  	[sflag:s23] =	ssyncset.done $0x0  }
0x26a: {  	s31 =	simm.s32 $0x1B7F0;
	[sflag:s23] =	ssyncadd.s32 $0xFFFFF000  }
0x26b: {  	v0 =	vld [tilespmem:s31+$0xFFFFFFF0]  }
0x26c: {  	v1 =	vld [tilespmem:s31+$0xFFFFFF30]  }
0x26d: {  	v2 =	vld [tilespmem:s31+$0xFFFFFF50]  }
0x26e: {  	v3 =	vld [tilespmem:s31+$0xFFFFFF70]  }
0x26f: {  	v4 =	vld [tilespmem:s31+$0xFFFFFF90]  }
0x270: {  	v5 =	vld [tilespmem:s31+$0xFFFFFFB0]  }
0x271: {  	v6 =	vld [tilespmem:s31+$0xFFFFFFD0]  }
0x272: {  	v7 =	vld [tilespmem:s31+$0xFFFFFF10]  }
0x273: {  	v0 =	vld.idx.msk [tilespmem:v0+s6+$0x0], $0xffff  }
0x274: {  	v1 =	vld.idx.msk [tilespmem:v1+s6+$0x0], $0xffff  }
0x275: {  	v2 =	vld.idx.msk [tilespmem:v2+s6+$0x0], $0xffff  }
0x276: {  	v3 =	vld.idx.msk [tilespmem:v3+s6+$0x0], $0xffff  }
0x277: {  	v4 =	vld.idx.msk [tilespmem:v4+s6+$0x0], $0xffff  }
0x278: {  	s26 =	simm.s32 $0x1C880;
	v5 =	vld.idx.msk [tilespmem:v5+s6+$0x0], $0xffff  }
0x279: {  	v6 =	vld.idx.msk [tilespmem:v6+s6+$0x0], $0xffff;
	[tilespmem:s26+$0x60] =	vst v0  }
0x27a: {  	v0 =	vld [tilespmem:s31+$0x0]  }
0x27b: {  	[tilespmem:s26+$0xFFFFFF20] =	vst v1;
	v1 =	vld.idx.msk [tilespmem:v7+s6+$0x0], $0xffff  }
0x27c: {  	[tilespmem:s26+$0xFFFFFF40] =	vst v2;
	v2 =	vld [tilespmem:s31+$0xFFFFFF40]  }
0x27d: {  	[tilespmem:s26+$0xFFFFFF60] =	vst v3;
	v3 =	vld [tilespmem:s31+$0xFFFFFF60]  }
0x27e: {  	[tilespmem:s26+$0x0] =	vst v4;
	v4 =	vld [tilespmem:s31+$0xFFFFFF80]  }
0x27f: {  	[tilespmem:s26+$0x20] =	vst v5;
	v7 =	vld [tilespmem:s31+$0xFFFFFFA0]  }
0x280: {  	[tilespmem:s26+$0x40] =	vst v6;
	v8 =	vld [tilespmem:s31+$0xFFFFFFC0]  }
0x281: {  	v9 =	vld [tilespmem:s31+$0xFFFFFFE0]  }
0x282: {  	[tilespmem:s26+$0xFFFFFF00] =	vst v1;
	v10 =	vld.idx.msk [tilespmem:v0+s6+$0x0], $0xffff  }
0x283: {  	v0 =	vld [tilespmem:s31+$0xFFFFFF20]  }
0x284: {  	v6 =	vld.idx.msk [tilespmem:v2+s6+$0x0], $0xffff  }
0x285: {  	v5 =	vld.idx.msk [tilespmem:v3+s6+$0x0], $0xffff  }
0x286: {  	v2 =	vld.idx.msk [tilespmem:v4+s6+$0x0], $0xffff  }
0x287: {  	v1 =	vld.idx.msk [tilespmem:v7+s6+$0x0], $0xffff  }
0x288: {  	v3 =	vld.idx.msk [tilespmem:v8+s6+$0x0], $0xffff  }
0x289: {  	s29 =	simm.s32 $0x0;
	s0 =	simm.s32 $0x1B8F0;
	s28 =	simm.s32 $0x1C880;
	v4 =	vld.idx.msk [tilespmem:v9+s6+$0x0], $0xffff;
	[tilespmem:s26+$0x70] =	vst v10  }
.LBB2_32:
0x28a: {  	v7 =	vld [tilespmem:s0+$0xFFFFFFF0];
	s29 =	sadd.s32 $0x8, s29;
	[tilespmem:s26+$0xFFFFFF30] =	vst v6  }
0x28b: {  	v6 =	vld [tilespmem:s0+$0xFFFFFF30];
	p0 =	slt.u32 s29, $0x78;
	[tilespmem:s26+$0xFFFFFF50] =	vst v5  }
0x28c: {  	v5 =	vld [tilespmem:s0+$0xFFFFFF50];
	[tilespmem:s26+$0xFFFFFF70] =	vst v2  }
0x28d: {  	v2 =	vld [tilespmem:s0+$0xFFFFFF70];
	[tilespmem:s26+$0x10] =	vst v1  }
0x28e: {  	v1 =	vld [tilespmem:s0+$0xFFFFFF90];
	[tilespmem:s26+$0x30] =	vst v3  }
0x28f: {  	v3 =	vld [tilespmem:s0+$0xFFFFFFB0];
	[tilespmem:s26+$0x50] =	vst v4  }
0x290: {  	v4 =	vld [tilespmem:s0+$0xFFFFFFD0]  }
0x291: {  	v8 =	vld [tilespmem:s0+$0xFFFFFF10]  }
0x292: {  	v7 =	vld.idx.msk [tilespmem:v7+s6+$0x0], $0xffff  }
0x293: {  	v6 =	vld.idx.msk [tilespmem:v6+s6+$0x0], $0xffff  }
0x294: {  	v5 =	vld.idx.msk [tilespmem:v5+s6+$0x0], $0xffff  }
0x295: {  	v2 =	vld.idx.msk [tilespmem:v2+s6+$0x0], $0xffff  }
0x296: {  	v1 =	vld.idx.msk [tilespmem:v1+s6+$0x0], $0xffff  }
0x297: {  	s26 =	sadd.s32 $0x200, s26;
	v3 =	vld.idx.msk [tilespmem:v3+s6+$0x0], $0xffff  }
0x298: {  	v4 =	vld.idx.msk [tilespmem:v4+s6+$0x0], $0xffff;
	[tilespmem:s26+$0x60] =	vst v7  }
0x299: {  	[tilespmem:s26+$0xFFFFFF20] =	vst v6;
	v6 =	vld [tilespmem:s0+$0x0]  }
0x29a: {  	v7 =	vld.idx.msk [tilespmem:v8+s6+$0x0], $0xffff;
	[tilespmem:s26+$0xFFFFFF40] =	vst v5  }
0x29b: {  	v5 =	vld [tilespmem:s0+$0xFFFFFF40];
	[tilespmem:s26+$0xFFFFFF60] =	vst v2  }
0x29c: {  	v2 =	vld [tilespmem:s0+$0xFFFFFF60];
	[tilespmem:s26+$0x0] =	vst v1  }
0x29d: {  	v1 =	vld [tilespmem:s0+$0xFFFFFF80];
	[tilespmem:s26+$0x20] =	vst v3  }
0x29e: {  	v3 =	vld [tilespmem:s0+$0xFFFFFFA0];
	[tilespmem:s26+$0x40] =	vst v4  }
0x29f: {  	v4 =	vld [tilespmem:s0+$0xFFFFFFC0]  }
0x2a0: {  	[tilespmem:s26+$0xFFFFFF00] =	vst v7;
	v7 =	vld [tilespmem:s0+$0xFFFFFFE0]  }
0x2a1: {  	v8 =	vld.idx.msk [tilespmem:v6+s6+$0x0], $0xffff  }
0x2a2: {  	v9 =	vld [tilespmem:s0+$0xFFFFFF20]  }
0x2a3: {  	v10 =	vld.idx.msk [tilespmem:v0+s6+$0x0], $0xffff  }
0x2a4: {  	v6 =	vld.idx.msk [tilespmem:v5+s6+$0x0], $0xffff  }
.Ltmp15:
0x2a5: {  	v5 =	vld.idx.msk [tilespmem:v2+s6+$0x0], $0xffff;
	(pc) =	sbr.rel @p0 .LBB2_32-.Ltmp15, $4  }
0x2a6: {  	v2 =	vld.idx.msk [tilespmem:v1+s6+$0x0], $0xffff  }
0x2a7: {  	v1 =	vld.idx.msk [tilespmem:v3+s6+$0x0], $0xffff;
	[tilespmem:s26+$0x70] =	vst v8;
	v0 =	vmov v9  }
0x2a8: {  	v3 =	vld.idx.msk [tilespmem:v4+s6+$0x0], $0xffff  }
0x2a9: {  	s0 =	sadd.s32 $0x100, s0;
	v4 =	vld.idx.msk [tilespmem:v7+s6+$0x0], $0xffff;
	[tilespmem:s28+$0xFFFFFF10] =	vst v10;
	s28 =	smov.u32 s26  }
0x2aa: {  	_ =	sdelay $0x2  }
0x2ab: {  	[tilespmem:s26+$0xFFFFFF30] =	vst v6  }
0x2ac: {  	[tilespmem:s26+$0xFFFFFF50] =	vst v5;
	v0 =	vld.idx.msk [tilespmem:v0+s6+$0x0], $0xffff  }
0x2ad: {  	[tilespmem:s26+$0xFFFFFF70] =	vst v2  }
0x2ae: {  	[tilespmem:s26+$0x10] =	vst v1  }
0x2af: {  	[tilespmem:s26+$0x30] =	vst v3  }
0x2b0: {  	s0 =	simm.s32 $0x1C780;
	[tilespmem:s26+$0x50] =	vst v4  }
0x2b1: {  	s5 =	sadd.s32 $0x0, s16;
	s26 =	simm.s32 $0x80;
	[tilespmem:s28+$0xFFFFFF10] =	vst v0;
	s28 =	simm.s32 $0x1C880  }
.LBB2_34:
0x2b2: {  	[hbm4b:s5+s6] =	stream.linear.scatter [tilespmem:s0], [sflag:$0x2], $0x80, $0x38;
	[tilespmem:$0x1E780] =	vst v63  }
0x2b3: {  	s5 =	smov.u32 s26;
	s0 =	smov.u32 s28;
	p0 =	sne.s32 s26, $0xF80  }
.Ltmp16:
0x2b4: {  	s26 =	sadd.s32 $0x80, s26;
	(pc) =	sbr.rel @p0 .LBB2_34-.Ltmp16, $2  }
0x2b5: {  	_ =	sdelay $0x2  }
0x2b6: {  	s28 =	sadd.s32 $0x100, s28;
	s5 =	sadd.s32 s5, s16  }
0x2b7: {  	[hbm4b:s5+s6] =	stream.linear.scatter [tilespmem:s0], [sflag:$0x2], $0x80, $0x38;
	[tilespmem:$0x1E780] =	vst v63  }
0x2b8: {  	s25 =	sadd.s32 $0x1, s25  }
0x2b9: {  	_ =	swait.ge [sflag:s22], $0x1000;
	p0 =	sne.s32 s25, s17  }
.Ltmp17:
0x2ba: {  	[sflag:s22] =	ssyncset.done $0x0;
	(pc) =	sbr.rel @p0 .LBB2_1-.Ltmp17, $4  }
0x2bb: {  	[sflag:s22] =	ssyncadd.s32 $0xFFFFF000  }
0x2bc: {  	_ =	swait.ge [sflag:s23], $0x1000  }
0x2bd: {  	[sflag:s23] =	ssyncset.done $0x0  }
0x2be: {  	[sflag:s23] =	ssyncadd.s32 $0xFFFFF000  }
0x2bf: {  	_ =	sfence.sel $0x180000  }
0x2c0: {  	[bflag:$0x0] =	sbarrier.arrive $0xFFFF  }
0x2c1: {  	_ =	strace $0x90000047  }
0x2c2: {  	s0 =	stileid.u32;
	[bflag:$0x2] =	sbarrier.arrive $0xFFFF  }
0x2c3: {  	p0 =	sne.s32 s0, $0x0;
	s0 =	rddreg [dreg:$0x6]  }
0x2c4: {  	s0 =	sadd.s32 @!p0 $0x100000, s0  }
0x2c5: {  	[sflag:s0] =	ssyncadd.tile.s32 @!p0 $0x1;
	_ =	shalt  }
.Lfunc_end2:
_tile_overlayer_lowered:
.L_overlay_start_2:
0x2c6: {  	(tag) =	ssettag $0x2  }
0x2c7: {  	s0 =	rddreg [dreg:$0x0];
	s2 =	stileid.u32  }
0x2c8: {  	s1 =	rddreg [dreg:$0x1];
	p0 =	sne.s32 s2, $0x0  }
0x2c9: {  	s3 =	rddreg [dreg:$0x2];
	[bflag:$0x3] =	sbarrier.arrive $0xFFFF;
	s2 =	simm.s32 @!p0 $0x1C03  }
0x2ca: {  	[timem:s3], [sflag:s2] =	dma.local @!p0 [hbm:s0], s1  }
0x2cb: {  	s0 =	simm.s32 @!p0 $0x3  }
0x2cc: {  	_ =	swait.ge @!p0 [sflag:s0], s1  }
0x2cd: {  	s1 =	ssub.s32 @!p0 $0x0, s1;
	[sflag:s0] =	ssyncset.done @!p0 $0x0  }
0x2ce: {  	[sflag:s0] =	ssyncadd.s32 @!p0 s1  }
0x2cf: {  	[bflag:$0x3] =	sbarrier.arrive $0xFFFF  }
0x2d0: {  	_ =	shalt  }

</sc_bundles>
